<compile_context>
chip_gen: v7x
topology: tpu7x:2x2x1
jax: 0.10.2.dev20260603
libtpu: 0.0.44.dev20260713+nightly
codegen_flags: <defaults>
</compile_context>

<pallas_src>
import functools

import jax
import jax.numpy as jnp
from jax import lax
from jax.experimental import pallas as pl
from jax.experimental.pallas import tpu as pltpu
from jax.experimental.pallas import tpu_sc as plsc

NUM_CORES = 2
NUM_SUBCORES = 16
NUM_WORKERS = NUM_CORES * NUM_SUBCORES


def kernel(x, embed_table):
    x = x.astype(jnp.int32)
    (B,) = x.shape
    V, D = embed_table.shape
    b_per_w = B // NUM_WORKERS
    K = 4
    n_groups = b_per_w // K

    mesh = plsc.VectorSubcoreMesh(core_axis_name="c", subcore_axis_name="s")

    @functools.partial(
        pl.kernel,
        mesh=mesh,
        out_type=jax.ShapeDtypeStruct((B, D), jnp.float32),
        scratch_types=[
            pltpu.SMEM((b_per_w,), jnp.int32),
            pltpu.VMEM_SHARED((NUM_WORKERS, b_per_w), jnp.int32),
            pltpu.VMEM((V, D), jnp.float32),
            pltpu.SemaphoreType.DMA,
        ],
    )
    def sc_lookup(table_hbm, idx_hbm, out_hbm, idx_s, idx_v, table_v, sem):
        wid = lax.axis_index("s") * NUM_CORES + lax.axis_index("c")
        base = wid * b_per_w
        pltpu.sync_copy(table_hbm, table_v)
        pltpu.sync_copy(idx_hbm.at[pl.ds(base, b_per_w)], idx_v.at[wid])
        pltpu.sync_copy(idx_v.at[wid], idx_s)

        def fire(r):
            pltpu.async_copy(table_v.at[idx_s[r]], out_hbm.at[base + r], sem)

        def drain_one():
            pltpu.make_async_copy(
                table_hbm.at[0], out_hbm.at[base], sem
            ).wait()

        for j in range(K):
            fire(j)

        def body(g, carry):
            for j in range(K):
                fire(g * K + j)
            for j in range(K):
                drain_one()
            return carry

        lax.fori_loop(1, n_groups, body, 0)
        for j in range(K):
            drain_one()

    return sc_lookup(embed_table, x)

# --- scband reference (transcript-rebuilt; emitter-appended) ---
"""Pipeline reference for scband-quality-tokenizer-39599598469898 (READ-ONLY COPY).

The authoritative reference and input builder live on the scoring server;
editing this copy changes nothing except your own understanding.
"""

import jax, jax.numpy as jnp
import numpy as np

NUM_BINS = 10
HIDDEN = 2048
BATCH = 16384

def setup_inputs(seed: int = 0) -> dict:
    key = jax.random.key(seed)
    k1, k2 = jax.random.split(key)
    x = jax.random.randint(k1, (BATCH,), 0, NUM_BINS, dtype=jnp.int64 if jax.config.jax_enable_x64 else jnp.int32)
    embed_table = jax.random.normal(k2, (NUM_BINS, HIDDEN), dtype=jnp.float32)
    return {"x": x, "embed_table": embed_table}

def reference(x, embed_table):
    # QualityTokenizer with use_quality_mlps=False: nn.Embedding lookup
    # quality = self.embed_quality(x)  -> [batch_size, hidden_size]
    quality = jnp.take(embed_table, x, axis=0)
    return quality

if __name__ == "__main__":
    import jax
    _d = setup_inputs()
    print(jax.jit(kernel)(*tuple(_d.values())))

</pallas_src>

<mosaic_0001>
#map = affine_map<(d0, d1) -> (0, 0)>
#map1 = affine_map<(d0, d1) -> (0)>
module attributes {stable_mosaic.version = 14 : i64} {
  func.func @sc_lookup(%arg0: i32, %arg1: i32, %arg2: memref<10x2048xf32, #tpu.memory_space<hbm>>, %arg3: memref<16384xi32, #tpu.memory_space<hbm>>, %arg4: memref<16384x2048xf32, #tpu.memory_space<hbm>>, %arg5: memref<512xi32, #tpu.memory_space<smem>>, %arg6: memref<32x512xi32, #tpu.memory_space<vmem_shared>>, %arg7: memref<10x2048xf32, #tpu.memory_space<vmem>>, %arg8: memref<!tpu.dma_semaphore, #tpu.memory_space<semaphore_mem>>) attributes {dimension_semantics = [#tpu.dimension_semantics<core_parallel>, #tpu.dimension_semantics<subcore_parallel>], iteration_bounds = array<i64: 2, 16>, scalar_prefetch = 0 : i64, scratch_operands = 4 : i64, tpu.core_type = #tpu.core_type<sc_vector_subcore>, window_params = [{transform_indices = #map}, {transform_indices = #map1}, {transform_indices = #map}]} {
    %mul3A = arith.constant 2 : i32
    %mul3A_0 = arith.muli %arg1, %mul3A : i32
    %add3A = arith.addi %mul3A_0, %arg0 : i32
    %mul3A_1 = arith.constant 512 : i32
    %mul3A_2 = arith.muli %add3A, %mul3A_1 : i32
    "tpu.region"() ({
      %run_scoped3A = tpu.sem_alloc : memref<!tpu.dma_semaphore, #tpu.memory_space<semaphore_mem>>
      tpu.enqueue_dma source(%arg2 : memref<10x2048xf32, #tpu.memory_space<hbm>>) target(%arg7 : memref<10x2048xf32, #tpu.memory_space<vmem>>) target_semaphore(%run_scoped3A : memref<!tpu.dma_semaphore, #tpu.memory_space<semaphore_mem>>)
      tpu.wait_dma2 semaphore(%run_scoped3A : memref<!tpu.dma_semaphore, #tpu.memory_space<semaphore_mem>>) src(%arg2 : memref<10x2048xf32, #tpu.memory_space<hbm>>) dst(%arg7 : memref<10x2048xf32, #tpu.memory_space<vmem>>)
      tpu.yield
    }) : () -> ()
    "tpu.region"() ({
      %run_scoped3A = tpu.sem_alloc : memref<!tpu.dma_semaphore, #tpu.memory_space<semaphore_mem>>
      %dma_start3A_101 = arith.constant 0 : i32
      %dma_start3A_102 = tpu.memref_slice %arg6[%add3A, %dma_start3A_101] : memref<32x512xi32, #tpu.memory_space<vmem_shared>> -> memref<1x512xi32, #tpu.memory_space<vmem_shared>>
      %dma_start3A_103 = tpu.memref_squeeze %dma_start3A_102 : memref<1x512xi32, #tpu.memory_space<vmem_shared>> -> memref<512xi32, #tpu.memory_space<vmem_shared>>
      %dma_start3A_104 = tpu.memref_slice %arg3[%mul3A_2] : memref<16384xi32, #tpu.memory_space<hbm>> -> memref<512xi32, #tpu.memory_space<hbm>>
      tpu.enqueue_dma source(%dma_start3A_104 : memref<512xi32, #tpu.memory_space<hbm>>) target(%dma_start3A_103 : memref<512xi32, #tpu.memory_space<vmem_shared>>) target_semaphore(%run_scoped3A : memref<!tpu.dma_semaphore, #tpu.memory_space<semaphore_mem>>)
      %dma_wait3A_105 = arith.constant 0 : i32
      %dma_wait3A_106 = tpu.memref_slice %arg6[%add3A, %dma_wait3A_105] : memref<32x512xi32, #tpu.memory_space<vmem_shared>> -> memref<1x512xi32, #tpu.memory_space<vmem_shared>>
      %dma_wait3A_107 = tpu.memref_squeeze %dma_wait3A_106 : memref<1x512xi32, #tpu.memory_space<vmem_shared>> -> memref<512xi32, #tpu.memory_space<vmem_shared>>
      %dma_wait3A_108 = tpu.memref_slice %arg3[%mul3A_2] : memref<16384xi32, #tpu.memory_space<hbm>> -> memref<512xi32, #tpu.memory_space<hbm>>
      tpu.wait_dma2 semaphore(%run_scoped3A : memref<!tpu.dma_semaphore, #tpu.memory_space<semaphore_mem>>) src(%dma_wait3A_108 : memref<512xi32, #tpu.memory_space<hbm>>) dst(%dma_wait3A_107 : memref<512xi32, #tpu.memory_space<vmem_shared>>)
      tpu.yield
    }) : () -> ()
    "tpu.region"() ({
      %run_scoped3A = tpu.sem_alloc : memref<!tpu.dma_semaphore, #tpu.memory_space<semaphore_mem>>
      %dma_start3A_101 = arith.constant 0 : i32
      %dma_start3A_102 = tpu.memref_slice %arg6[%add3A, %dma_start3A_101] : memref<32x512xi32, #tpu.memory_space<vmem_shared>> -> memref<1x512xi32, #tpu.memory_space<vmem_shared>>
      %dma_start3A_103 = tpu.memref_squeeze %dma_start3A_102 : memref<1x512xi32, #tpu.memory_space<vmem_shared>> -> memref<512xi32, #tpu.memory_space<vmem_shared>>
      tpu.enqueue_dma source(%dma_start3A_103 : memref<512xi32, #tpu.memory_space<vmem_shared>>) target(%arg5 : memref<512xi32, #tpu.memory_space<smem>>) target_semaphore(%run_scoped3A : memref<!tpu.dma_semaphore, #tpu.memory_space<semaphore_mem>>)
      %dma_wait3A_104 = arith.constant 0 : i32
      %dma_wait3A_105 = tpu.memref_slice %arg6[%add3A, %dma_wait3A_104] : memref<32x512xi32, #tpu.memory_space<vmem_shared>> -> memref<1x512xi32, #tpu.memory_space<vmem_shared>>
      %dma_wait3A_106 = tpu.memref_squeeze %dma_wait3A_105 : memref<1x512xi32, #tpu.memory_space<vmem_shared>> -> memref<512xi32, #tpu.memory_space<vmem_shared>>
      tpu.wait_dma2 semaphore(%run_scoped3A : memref<!tpu.dma_semaphore, #tpu.memory_space<semaphore_mem>>) src(%dma_wait3A_106 : memref<512xi32, #tpu.memory_space<vmem_shared>>) dst(%arg5 : memref<512xi32, #tpu.memory_space<smem>>)
      tpu.yield
    }) : () -> ()
    %get3A = arith.constant 0 : i32
    %get3A_3 = arith.index_cast %get3A : i32 to index
    %get3A_4 = memref.load %arg5[%get3A_3] : memref<512xi32, #tpu.memory_space<smem>>
    %add3A_5 = arith.constant 0 : i32
    %add3A_6 = arith.addi %mul3A_2, %add3A_5 : i32
    %dma_start3A = arith.constant 0 : i32
    %dma_start3A_7 = tpu.memref_slice %arg7[%get3A_4, %dma_start3A] : memref<10x2048xf32, #tpu.memory_space<vmem>> -> memref<1x2048xf32, #tpu.memory_space<vmem>>
    %dma_start3A_8 = tpu.memref_squeeze %dma_start3A_7 : memref<1x2048xf32, #tpu.memory_space<vmem>> -> memref<2048xf32, #tpu.memory_space<vmem>>
    %dma_start3A_9 = arith.constant 0 : i32
    %dma_start3A_10 = tpu.memref_slice %arg4[%add3A_6, %dma_start3A_9] : memref<16384x2048xf32, #tpu.memory_space<hbm>> -> memref<1x2048xf32, #tpu.memory_space<hbm>>
    %dma_start3A_11 = tpu.memref_squeeze %dma_start3A_10 : memref<1x2048xf32, #tpu.memory_space<hbm>> -> memref<2048xf32, #tpu.memory_space<hbm>>
    %dma_start3A_12 = arith.constant 0 : i32
    %dma_start3A_13 = tpu.memref_slice %arg4[%add3A_6, %dma_start3A_12] : memref<16384x2048xf32, #tpu.memory_space<hbm>> -> memref<1x2048xf32, #tpu.memory_space<hbm>>
    %dma_start3A_14 = tpu.memref_squeeze %dma_start3A_13 : memref<1x2048xf32, #tpu.memory_space<hbm>> -> memref<2048xf32, #tpu.memory_space<hbm>>
    %dma_start3A_15 = arith.constant 0 : i32
    %dma_start3A_16 = tpu.memref_slice %arg7[%get3A_4, %dma_start3A_15] : memref<10x2048xf32, #tpu.memory_space<vmem>> -> memref<1x2048xf32, #tpu.memory_space<vmem>>
    %dma_start3A_17 = tpu.memref_squeeze %dma_start3A_16 : memref<1x2048xf32, #tpu.memory_space<vmem>> -> memref<2048xf32, #tpu.memory_space<vmem>>
    tpu.enqueue_dma source(%dma_start3A_17 : memref<2048xf32, #tpu.memory_space<vmem>>) target(%dma_start3A_14 : memref<2048xf32, #tpu.memory_space<hbm>>) target_semaphore(%arg8 : memref<!tpu.dma_semaphore, #tpu.memory_space<semaphore_mem>>)
    %get3A_18 = arith.constant 1 : i32
    %get3A_19 = arith.index_cast %get3A_18 : i32 to index
    %get3A_20 = memref.load %arg5[%get3A_19] : memref<512xi32, #tpu.memory_space<smem>>
    %add3A_21 = arith.constant 1 : i32
    %add3A_22 = arith.addi %mul3A_2, %add3A_21 : i32
    %dma_start3A_23 = arith.constant 0 : i32
    %dma_start3A_24 = tpu.memref_slice %arg7[%get3A_20, %dma_start3A_23] : memref<10x2048xf32, #tpu.memory_space<vmem>> -> memref<1x2048xf32, #tpu.memory_space<vmem>>
    %dma_start3A_25 = tpu.memref_squeeze %dma_start3A_24 : memref<1x2048xf32, #tpu.memory_space<vmem>> -> memref<2048xf32, #tpu.memory_space<vmem>>
    %dma_start3A_26 = arith.constant 0 : i32
    %dma_start3A_27 = tpu.memref_slice %arg4[%add3A_22, %dma_start3A_26] : memref<16384x2048xf32, #tpu.memory_space<hbm>> -> memref<1x2048xf32, #tpu.memory_space<hbm>>
    %dma_start3A_28 = tpu.memref_squeeze %dma_start3A_27 : memref<1x2048xf32, #tpu.memory_space<hbm>> -> memref<2048xf32, #tpu.memory_space<hbm>>
    %dma_start3A_29 = arith.constant 0 : i32
    %dma_start3A_30 = tpu.memref_slice %arg4[%add3A_22, %dma_start3A_29] : memref<16384x2048xf32, #tpu.memory_space<hbm>> -> memref<1x2048xf32, #tpu.memory_space<hbm>>
    %dma_start3A_31 = tpu.memref_squeeze %dma_start3A_30 : memref<1x2048xf32, #tpu.memory_space<hbm>> -> memref<2048xf32, #tpu.memory_space<hbm>>
    %dma_start3A_32 = arith.constant 0 : i32
    %dma_start3A_33 = tpu.memref_slice %arg7[%get3A_20, %dma_start3A_32] : memref<10x2048xf32, #tpu.memory_space<vmem>> -> memref<1x2048xf32, #tpu.memory_space<vmem>>
    %dma_start3A_34 = tpu.memref_squeeze %dma_start3A_33 : memref<1x2048xf32, #tpu.memory_space<vmem>> -> memref<2048xf32, #tpu.memory_space<vmem>>
    tpu.enqueue_dma source(%dma_start3A_34 : memref<2048xf32, #tpu.memory_space<vmem>>) target(%dma_start3A_31 : memref<2048xf32, #tpu.memory_space<hbm>>) target_semaphore(%arg8 : memref<!tpu.dma_semaphore, #tpu.memory_space<semaphore_mem>>)
    %get3A_35 = arith.constant 2 : i32
    %get3A_36 = arith.index_cast %get3A_35 : i32 to index
    %get3A_37 = memref.load %arg5[%get3A_36] : memref<512xi32, #tpu.memory_space<smem>>
    %add3A_38 = arith.constant 2 : i32
    %add3A_39 = arith.addi %mul3A_2, %add3A_38 : i32
    %dma_start3A_40 = arith.constant 0 : i32
    %dma_start3A_41 = tpu.memref_slice %arg7[%get3A_37, %dma_start3A_40] : memref<10x2048xf32, #tpu.memory_space<vmem>> -> memref<1x2048xf32, #tpu.memory_space<vmem>>
    %dma_start3A_42 = tpu.memref_squeeze %dma_start3A_41 : memref<1x2048xf32, #tpu.memory_space<vmem>> -> memref<2048xf32, #tpu.memory_space<vmem>>
    %dma_start3A_43 = arith.constant 0 : i32
    %dma_start3A_44 = tpu.memref_slice %arg4[%add3A_39, %dma_start3A_43] : memref<16384x2048xf32, #tpu.memory_space<hbm>> -> memref<1x2048xf32, #tpu.memory_space<hbm>>
    %dma_start3A_45 = tpu.memref_squeeze %dma_start3A_44 : memref<1x2048xf32, #tpu.memory_space<hbm>> -> memref<2048xf32, #tpu.memory_space<hbm>>
    %dma_start3A_46 = arith.constant 0 : i32
    %dma_start3A_47 = tpu.memref_slice %arg4[%add3A_39, %dma_start3A_46] : memref<16384x2048xf32, #tpu.memory_space<hbm>> -> memref<1x2048xf32, #tpu.memory_space<hbm>>
    %dma_start3A_48 = tpu.memref_squeeze %dma_start3A_47 : memref<1x2048xf32, #tpu.memory_space<hbm>> -> memref<2048xf32, #tpu.memory_space<hbm>>
    %dma_start3A_49 = arith.constant 0 : i32
    %dma_start3A_50 = tpu.memref_slice %arg7[%get3A_37, %dma_start3A_49] : memref<10x2048xf32, #tpu.memory_space<vmem>> -> memref<1x2048xf32, #tpu.memory_space<vmem>>
    %dma_start3A_51 = tpu.memref_squeeze %dma_start3A_50 : memref<1x2048xf32, #tpu.memory_space<vmem>> -> memref<2048xf32, #tpu.memory_space<vmem>>
    tpu.enqueue_dma source(%dma_start3A_51 : memref<2048xf32, #tpu.memory_space<vmem>>) target(%dma_start3A_48 : memref<2048xf32, #tpu.memory_space<hbm>>) target_semaphore(%arg8 : memref<!tpu.dma_semaphore, #tpu.memory_space<semaphore_mem>>)
    %get3A_52 = arith.constant 3 : i32
    %get3A_53 = arith.index_cast %get3A_52 : i32 to index
    %get3A_54 = memref.load %arg5[%get3A_53] : memref<512xi32, #tpu.memory_space<smem>>
    %add3A_55 = arith.constant 3 : i32
    %add3A_56 = arith.addi %mul3A_2, %add3A_55 : i32
    %dma_start3A_57 = arith.constant 0 : i32
    %dma_start3A_58 = tpu.memref_slice %arg7[%get3A_54, %dma_start3A_57] : memref<10x2048xf32, #tpu.memory_space<vmem>> -> memref<1x2048xf32, #tpu.memory_space<vmem>>
    %dma_start3A_59 = tpu.memref_squeeze %dma_start3A_58 : memref<1x2048xf32, #tpu.memory_space<vmem>> -> memref<2048xf32, #tpu.memory_space<vmem>>
    %dma_start3A_60 = arith.constant 0 : i32
    %dma_start3A_61 = tpu.memref_slice %arg4[%add3A_56, %dma_start3A_60] : memref<16384x2048xf32, #tpu.memory_space<hbm>> -> memref<1x2048xf32, #tpu.memory_space<hbm>>
    %dma_start3A_62 = tpu.memref_squeeze %dma_start3A_61 : memref<1x2048xf32, #tpu.memory_space<hbm>> -> memref<2048xf32, #tpu.memory_space<hbm>>
    %dma_start3A_63 = arith.constant 0 : i32
    %dma_start3A_64 = tpu.memref_slice %arg4[%add3A_56, %dma_start3A_63] : memref<16384x2048xf32, #tpu.memory_space<hbm>> -> memref<1x2048xf32, #tpu.memory_space<hbm>>
    %dma_start3A_65 = tpu.memref_squeeze %dma_start3A_64 : memref<1x2048xf32, #tpu.memory_space<hbm>> -> memref<2048xf32, #tpu.memory_space<hbm>>
    %dma_start3A_66 = arith.constant 0 : i32
    %dma_start3A_67 = tpu.memref_slice %arg7[%get3A_54, %dma_start3A_66] : memref<10x2048xf32, #tpu.memory_space<vmem>> -> memref<1x2048xf32, #tpu.memory_space<vmem>>
    %dma_start3A_68 = tpu.memref_squeeze %dma_start3A_67 : memref<1x2048xf32, #tpu.memory_space<vmem>> -> memref<2048xf32, #tpu.memory_space<vmem>>
    tpu.enqueue_dma source(%dma_start3A_68 : memref<2048xf32, #tpu.memory_space<vmem>>) target(%dma_start3A_65 : memref<2048xf32, #tpu.memory_space<hbm>>) target_semaphore(%arg8 : memref<!tpu.dma_semaphore, #tpu.memory_space<semaphore_mem>>)
    %scan3A = arith.constant 0 : i32
    %scan3A_69 = arith.constant 1 : i32
    %scan3A_70 = arith.constant 127 : i32
    %scan3A_71 = arith.addi %scan3A_69, %scan3A_70 : i32
    %scan3A_72 = arith.constant 1 : i32
    scf.for %scan3A_101 = %scan3A_69 to %scan3A_71 step %scan3A_72  : i32 {
      %mul3A_102 = arith.constant 4 : i32
      %mul3A_103 = arith.muli %scan3A_101, %mul3A_102 : i32
      %add3A_104 = arith.constant 0 : i32
      %add3A_105 = arith.addi %mul3A_103, %add3A_104 : i32
      %get3A_106 = arith.index_cast %add3A_105 : i32 to index
      %get3A_107 = memref.load %arg5[%get3A_106] : memref<512xi32, #tpu.memory_space<smem>>
      %add3A_108 = arith.addi %mul3A_2, %add3A_105 : i32
      %dma_start3A_109 = arith.constant 0 : i32
      %dma_start3A_110 = tpu.memref_slice %arg7[%get3A_107, %dma_start3A_109] : memref<10x2048xf32, #tpu.memory_space<vmem>> -> memref<1x2048xf32, #tpu.memory_space<vmem>>
      %dma_start3A_111 = tpu.memref_squeeze %dma_start3A_110 : memref<1x2048xf32, #tpu.memory_space<vmem>> -> memref<2048xf32, #tpu.memory_space<vmem>>
      %dma_start3A_112 = arith.constant 0 : i32
      %dma_start3A_113 = tpu.memref_slice %arg4[%add3A_108, %dma_start3A_112] : memref<16384x2048xf32, #tpu.memory_space<hbm>> -> memref<1x2048xf32, #tpu.memory_space<hbm>>
      %dma_start3A_114 = tpu.memref_squeeze %dma_start3A_113 : memref<1x2048xf32, #tpu.memory_space<hbm>> -> memref<2048xf32, #tpu.memory_space<hbm>>
      %dma_start3A_115 = arith.constant 0 : i32
      %dma_start3A_116 = tpu.memref_slice %arg4[%add3A_108, %dma_start3A_115] : memref<16384x2048xf32, #tpu.memory_space<hbm>> -> memref<1x2048xf32, #tpu.memory_space<hbm>>
      %dma_start3A_117 = tpu.memref_squeeze %dma_start3A_116 : memref<1x2048xf32, #tpu.memory_space<hbm>> -> memref<2048xf32, #tpu.memory_space<hbm>>
      %dma_start3A_118 = arith.constant 0 : i32
      %dma_start3A_119 = tpu.memref_slice %arg7[%get3A_107, %dma_start3A_118] : memref<10x2048xf32, #tpu.memory_space<vmem>> -> memref<1x2048xf32, #tpu.memory_space<vmem>>
      %dma_start3A_120 = tpu.memref_squeeze %dma_start3A_119 : memref<1x2048xf32, #tpu.memory_space<vmem>> -> memref<2048xf32, #tpu.memory_space<vmem>>
      tpu.enqueue_dma source(%dma_start3A_120 : memref<2048xf32, #tpu.memory_space<vmem>>) target(%dma_start3A_117 : memref<2048xf32, #tpu.memory_space<hbm>>) target_semaphore(%arg8 : memref<!tpu.dma_semaphore, #tpu.memory_space<semaphore_mem>>)
      %mul3A_121 = arith.constant 4 : i32
      %mul3A_122 = arith.muli %scan3A_101, %mul3A_121 : i32
      %add3A_123 = arith.constant 1 : i32
      %add3A_124 = arith.addi %mul3A_122, %add3A_123 : i32
      %get3A_125 = arith.index_cast %add3A_124 : i32 to index
      %get3A_126 = memref.load %arg5[%get3A_125] : memref<512xi32, #tpu.memory_space<smem>>
      %add3A_127 = arith.addi %mul3A_2, %add3A_124 : i32
      %dma_start3A_128 = arith.constant 0 : i32
      %dma_start3A_129 = tpu.memref_slice %arg7[%get3A_126, %dma_start3A_128] : memref<10x2048xf32, #tpu.memory_space<vmem>> -> memref<1x2048xf32, #tpu.memory_space<vmem>>
      %dma_start3A_130 = tpu.memref_squeeze %dma_start3A_129 : memref<1x2048xf32, #tpu.memory_space<vmem>> -> memref<2048xf32, #tpu.memory_space<vmem>>
      %dma_start3A_131 = arith.constant 0 : i32
      %dma_start3A_132 = tpu.memref_slice %arg4[%add3A_127, %dma_start3A_131] : memref<16384x2048xf32, #tpu.memory_space<hbm>> -> memref<1x2048xf32, #tpu.memory_space<hbm>>
      %dma_start3A_133 = tpu.memref_squeeze %dma_start3A_132 : memref<1x2048xf32, #tpu.memory_space<hbm>> -> memref<2048xf32, #tpu.memory_space<hbm>>
      %dma_start3A_134 = arith.constant 0 : i32
      %dma_start3A_135 = tpu.memref_slice %arg4[%add3A_127, %dma_start3A_134] : memref<16384x2048xf32, #tpu.memory_space<hbm>> -> memref<1x2048xf32, #tpu.memory_space<hbm>>
      %dma_start3A_136 = tpu.memref_squeeze %dma_start3A_135 : memref<1x2048xf32, #tpu.memory_space<hbm>> -> memref<2048xf32, #tpu.memory_space<hbm>>
      %dma_start3A_137 = arith.constant 0 : i32
      %dma_start3A_138 = tpu.memref_slice %arg7[%get3A_126, %dma_start3A_137] : memref<10x2048xf32, #tpu.memory_space<vmem>> -> memref<1x2048xf32, #tpu.memory_space<vmem>>
      %dma_start3A_139 = tpu.memref_squeeze %dma_start3A_138 : memref<1x2048xf32, #tpu.memory_space<vmem>> -> memref<2048xf32, #tpu.memory_space<vmem>>
      tpu.enqueue_dma source(%dma_start3A_139 : memref<2048xf32, #tpu.memory_space<vmem>>) target(%dma_start3A_136 : memref<2048xf32, #tpu.memory_space<hbm>>) target_semaphore(%arg8 : memref<!tpu.dma_semaphore, #tpu.memory_space<semaphore_mem>>)
      %mul3A_140 = arith.constant 4 : i32
      %mul3A_141 = arith.muli %scan3A_101, %mul3A_140 : i32
      %add3A_142 = arith.constant 2 : i32
      %add3A_143 = arith.addi %mul3A_141, %add3A_142 : i32
      %get3A_144 = arith.index_cast %add3A_143 : i32 to index
      %get3A_145 = memref.load %arg5[%get3A_144] : memref<512xi32, #tpu.memory_space<smem>>
      %add3A_146 = arith.addi %mul3A_2, %add3A_143 : i32
      %dma_start3A_147 = arith.constant 0 : i32
      %dma_start3A_148 = tpu.memref_slice %arg7[%get3A_145, %dma_start3A_147] : memref<10x2048xf32, #tpu.memory_space<vmem>> -> memref<1x2048xf32, #tpu.memory_space<vmem>>
      %dma_start3A_149 = tpu.memref_squeeze %dma_start3A_148 : memref<1x2048xf32, #tpu.memory_space<vmem>> -> memref<2048xf32, #tpu.memory_space<vmem>>
      %dma_start3A_150 = arith.constant 0 : i32
      %dma_start3A_151 = tpu.memref_slice %arg4[%add3A_146, %dma_start3A_150] : memref<16384x2048xf32, #tpu.memory_space<hbm>> -> memref<1x2048xf32, #tpu.memory_space<hbm>>
      %dma_start3A_152 = tpu.memref_squeeze %dma_start3A_151 : memref<1x2048xf32, #tpu.memory_space<hbm>> -> memref<2048xf32, #tpu.memory_space<hbm>>
      %dma_start3A_153 = arith.constant 0 : i32
      %dma_start3A_154 = tpu.memref_slice %arg4[%add3A_146, %dma_start3A_153] : memref<16384x2048xf32, #tpu.memory_space<hbm>> -> memref<1x2048xf32, #tpu.memory_space<hbm>>
      %dma_start3A_155 = tpu.memref_squeeze %dma_start3A_154 : memref<1x2048xf32, #tpu.memory_space<hbm>> -> memref<2048xf32, #tpu.memory_space<hbm>>
      %dma_start3A_156 = arith.constant 0 : i32
      %dma_start3A_157 = tpu.memref_slice %arg7[%get3A_145, %dma_start3A_156] : memref<10x2048xf32, #tpu.memory_space<vmem>> -> memref<1x2048xf32, #tpu.memory_space<vmem>>
      %dma_start3A_158 = tpu.memref_squeeze %dma_start3A_157 : memref<1x2048xf32, #tpu.memory_space<vmem>> -> memref<2048xf32, #tpu.memory_space<vmem>>
      tpu.enqueue_dma source(%dma_start3A_158 : memref<2048xf32, #tpu.memory_space<vmem>>) target(%dma_start3A_155 : memref<2048xf32, #tpu.memory_space<hbm>>) target_semaphore(%arg8 : memref<!tpu.dma_semaphore, #tpu.memory_space<semaphore_mem>>)
      %mul3A_159 = arith.constant 4 : i32
      %mul3A_160 = arith.muli %scan3A_101, %mul3A_159 : i32
      %add3A_161 = arith.constant 3 : i32
      %add3A_162 = arith.addi %mul3A_160, %add3A_161 : i32
      %get3A_163 = arith.index_cast %add3A_162 : i32 to index
      %get3A_164 = memref.load %arg5[%get3A_163] : memref<512xi32, #tpu.memory_space<smem>>
      %add3A_165 = arith.addi %mul3A_2, %add3A_162 : i32
      %dma_start3A_166 = arith.constant 0 : i32
      %dma_start3A_167 = tpu.memref_slice %arg7[%get3A_164, %dma_start3A_166] : memref<10x2048xf32, #tpu.memory_space<vmem>> -> memref<1x2048xf32, #tpu.memory_space<vmem>>
      %dma_start3A_168 = tpu.memref_squeeze %dma_start3A_167 : memref<1x2048xf32, #tpu.memory_space<vmem>> -> memref<2048xf32, #tpu.memory_space<vmem>>
      %dma_start3A_169 = arith.constant 0 : i32
      %dma_start3A_170 = tpu.memref_slice %arg4[%add3A_165, %dma_start3A_169] : memref<16384x2048xf32, #tpu.memory_space<hbm>> -> memref<1x2048xf32, #tpu.memory_space<hbm>>
      %dma_start3A_171 = tpu.memref_squeeze %dma_start3A_170 : memref<1x2048xf32, #tpu.memory_space<hbm>> -> memref<2048xf32, #tpu.memory_space<hbm>>
      %dma_start3A_172 = arith.constant 0 : i32
      %dma_start3A_173 = tpu.memref_slice %arg4[%add3A_165, %dma_start3A_172] : memref<16384x2048xf32, #tpu.memory_space<hbm>> -> memref<1x2048xf32, #tpu.memory_space<hbm>>
      %dma_start3A_174 = tpu.memref_squeeze %dma_start3A_173 : memref<1x2048xf32, #tpu.memory_space<hbm>> -> memref<2048xf32, #tpu.memory_space<hbm>>
      %dma_start3A_175 = arith.constant 0 : i32
      %dma_start3A_176 = tpu.memref_slice %arg7[%get3A_164, %dma_start3A_175] : memref<10x2048xf32, #tpu.memory_space<vmem>> -> memref<1x2048xf32, #tpu.memory_space<vmem>>
      %dma_start3A_177 = tpu.memref_squeeze %dma_start3A_176 : memref<1x2048xf32, #tpu.memory_space<vmem>> -> memref<2048xf32, #tpu.memory_space<vmem>>
      tpu.enqueue_dma source(%dma_start3A_177 : memref<2048xf32, #tpu.memory_space<vmem>>) target(%dma_start3A_174 : memref<2048xf32, #tpu.memory_space<hbm>>) target_semaphore(%arg8 : memref<!tpu.dma_semaphore, #tpu.memory_space<semaphore_mem>>)
      %dma_wait3A_178 = arith.constant 0 : i32
      %dma_wait3A_179 = arith.constant 0 : i32
      %dma_wait3A_180 = tpu.memref_slice %arg4[%mul3A_2, %dma_wait3A_179] : memref<16384x2048xf32, #tpu.memory_space<hbm>> -> memref<1x2048xf32, #tpu.memory_space<hbm>>
      %dma_wait3A_181 = tpu.memref_squeeze %dma_wait3A_180 : memref<1x2048xf32, #tpu.memory_space<hbm>> -> memref<2048xf32, #tpu.memory_space<hbm>>
      %dma_wait3A_182 = arith.constant 0 : i32
      %dma_wait3A_183 = tpu.memref_slice %arg2[%dma_wait3A_178, %dma_wait3A_182] : memref<10x2048xf32, #tpu.memory_space<hbm>> -> memref<1x2048xf32, #tpu.memory_space<hbm>>
      %dma_wait3A_184 = tpu.memref_squeeze %dma_wait3A_183 : memref<1x2048xf32, #tpu.memory_space<hbm>> -> memref<2048xf32, #tpu.memory_space<hbm>>
      tpu.wait_dma2 semaphore(%arg8 : memref<!tpu.dma_semaphore, #tpu.memory_space<semaphore_mem>>) src(%dma_wait3A_184 : memref<2048xf32, #tpu.memory_space<hbm>>) dst(%dma_wait3A_181 : memref<2048xf32, #tpu.memory_space<hbm>>)
      %dma_wait3A_185 = arith.constant 0 : i32
      %dma_wait3A_186 = arith.constant 0 : i32
      %dma_wait3A_187 = tpu.memref_slice %arg4[%mul3A_2, %dma_wait3A_186] : memref<16384x2048xf32, #tpu.memory_space<hbm>> -> memref<1x2048xf32, #tpu.memory_space<hbm>>
      %dma_wait3A_188 = tpu.memref_squeeze %dma_wait3A_187 : memref<1x2048xf32, #tpu.memory_space<hbm>> -> memref<2048xf32, #tpu.memory_space<hbm>>
      %dma_wait3A_189 = arith.constant 0 : i32
      %dma_wait3A_190 = tpu.memref_slice %arg2[%dma_wait3A_185, %dma_wait3A_189] : memref<10x2048xf32, #tpu.memory_space<hbm>> -> memref<1x2048xf32, #tpu.memory_space<hbm>>
      %dma_wait3A_191 = tpu.memref_squeeze %dma_wait3A_190 : memref<1x2048xf32, #tpu.memory_space<hbm>> -> memref<2048xf32, #tpu.memory_space<hbm>>
      tpu.wait_dma2 semaphore(%arg8 : memref<!tpu.dma_semaphore, #tpu.memory_space<semaphore_mem>>) src(%dma_wait3A_191 : memref<2048xf32, #tpu.memory_space<hbm>>) dst(%dma_wait3A_188 : memref<2048xf32, #tpu.memory_space<hbm>>)
      %dma_wait3A_192 = arith.constant 0 : i32
      %dma_wait3A_193 = arith.constant 0 : i32
      %dma_wait3A_194 = tpu.memref_slice %arg4[%mul3A_2, %dma_wait3A_193] : memref<16384x2048xf32, #tpu.memory_space<hbm>> -> memref<1x2048xf32, #tpu.memory_space<hbm>>
      %dma_wait3A_195 = tpu.memref_squeeze %dma_wait3A_194 : memref<1x2048xf32, #tpu.memory_space<hbm>> -> memref<2048xf32, #tpu.memory_space<hbm>>
      %dma_wait3A_196 = arith.constant 0 : i32
      %dma_wait3A_197 = tpu.memref_slice %arg2[%dma_wait3A_192, %dma_wait3A_196] : memref<10x2048xf32, #tpu.memory_space<hbm>> -> memref<1x2048xf32, #tpu.memory_space<hbm>>
      %dma_wait3A_198 = tpu.memref_squeeze %dma_wait3A_197 : memref<1x2048xf32, #tpu.memory_space<hbm>> -> memref<2048xf32, #tpu.memory_space<hbm>>
      tpu.wait_dma2 semaphore(%arg8 : memref<!tpu.dma_semaphore, #tpu.memory_space<semaphore_mem>>) src(%dma_wait3A_198 : memref<2048xf32, #tpu.memory_space<hbm>>) dst(%dma_wait3A_195 : memref<2048xf32, #tpu.memory_space<hbm>>)
      %dma_wait3A_199 = arith.constant 0 : i32
      %dma_wait3A_200 = arith.constant 0 : i32
      %dma_wait3A_201 = tpu.memref_slice %arg4[%mul3A_2, %dma_wait3A_200] : memref<16384x2048xf32, #tpu.memory_space<hbm>> -> memref<1x2048xf32, #tpu.memory_space<hbm>>
      %dma_wait3A_202 = tpu.memref_squeeze %dma_wait3A_201 : memref<1x2048xf32, #tpu.memory_space<hbm>> -> memref<2048xf32, #tpu.memory_space<hbm>>
      %dma_wait3A_203 = arith.constant 0 : i32
      %dma_wait3A_204 = tpu.memref_slice %arg2[%dma_wait3A_199, %dma_wait3A_203] : memref<10x2048xf32, #tpu.memory_space<hbm>> -> memref<1x2048xf32, #tpu.memory_space<hbm>>
      %dma_wait3A_205 = tpu.memref_squeeze %dma_wait3A_204 : memref<1x2048xf32, #tpu.memory_space<hbm>> -> memref<2048xf32, #tpu.memory_space<hbm>>
      tpu.wait_dma2 semaphore(%arg8 : memref<!tpu.dma_semaphore, #tpu.memory_space<semaphore_mem>>) src(%dma_wait3A_205 : memref<2048xf32, #tpu.memory_space<hbm>>) dst(%dma_wait3A_202 : memref<2048xf32, #tpu.memory_space<hbm>>)
    }
    %scan3A_73 = arith.constant 127 : i32
    %dma_wait3A = arith.constant 0 : i32
    %dma_wait3A_74 = arith.constant 0 : i32
    %dma_wait3A_75 = tpu.memref_slice %arg4[%mul3A_2, %dma_wait3A_74] : memref<16384x2048xf32, #tpu.memory_space<hbm>> -> memref<1x2048xf32, #tpu.memory_space<hbm>>
    %dma_wait3A_76 = tpu.memref_squeeze %dma_wait3A_75 : memref<1x2048xf32, #tpu.memory_space<hbm>> -> memref<2048xf32, #tpu.memory_space<hbm>>
    %dma_wait3A_77 = arith.constant 0 : i32
    %dma_wait3A_78 = tpu.memref_slice %arg2[%dma_wait3A, %dma_wait3A_77] : memref<10x2048xf32, #tpu.memory_space<hbm>> -> memref<1x2048xf32, #tpu.memory_space<hbm>>
    %dma_wait3A_79 = tpu.memref_squeeze %dma_wait3A_78 : memref<1x2048xf32, #tpu.memory_space<hbm>> -> memref<2048xf32, #tpu.memory_space<hbm>>
    tpu.wait_dma2 semaphore(%arg8 : memref<!tpu.dma_semaphore, #tpu.memory_space<semaphore_mem>>) src(%dma_wait3A_79 : memref<2048xf32, #tpu.memory_space<hbm>>) dst(%dma_wait3A_76 : memref<2048xf32, #tpu.memory_space<hbm>>)
    %dma_wait3A_80 = arith.constant 0 : i32
    %dma_wait3A_81 = arith.constant 0 : i32
    %dma_wait3A_82 = tpu.memref_slice %arg4[%mul3A_2, %dma_wait3A_81] : memref<16384x2048xf32, #tpu.memory_space<hbm>> -> memref<1x2048xf32, #tpu.memory_space<hbm>>
    %dma_wait3A_83 = tpu.memref_squeeze %dma_wait3A_82 : memref<1x2048xf32, #tpu.memory_space<hbm>> -> memref<2048xf32, #tpu.memory_space<hbm>>
    %dma_wait3A_84 = arith.constant 0 : i32
    %dma_wait3A_85 = tpu.memref_slice %arg2[%dma_wait3A_80, %dma_wait3A_84] : memref<10x2048xf32, #tpu.memory_space<hbm>> -> memref<1x2048xf32, #tpu.memory_space<hbm>>
    %dma_wait3A_86 = tpu.memref_squeeze %dma_wait3A_85 : memref<1x2048xf32, #tpu.memory_space<hbm>> -> memref<2048xf32, #tpu.memory_space<hbm>>
    tpu.wait_dma2 semaphore(%arg8 : memref<!tpu.dma_semaphore, #tpu.memory_space<semaphore_mem>>) src(%dma_wait3A_86 : memref<2048xf32, #tpu.memory_space<hbm>>) dst(%dma_wait3A_83 : memref<2048xf32, #tpu.memory_space<hbm>>)
    %dma_wait3A_87 = arith.constant 0 : i32
    %dma_wait3A_88 = arith.constant 0 : i32
    %dma_wait3A_89 = tpu.memref_slice %arg4[%mul3A_2, %dma_wait3A_88] : memref<16384x2048xf32, #tpu.memory_space<hbm>> -> memref<1x2048xf32, #tpu.memory_space<hbm>>
    %dma_wait3A_90 = tpu.memref_squeeze %dma_wait3A_89 : memref<1x2048xf32, #tpu.memory_space<hbm>> -> memref<2048xf32, #tpu.memory_space<hbm>>
    %dma_wait3A_91 = arith.constant 0 : i32
    %dma_wait3A_92 = tpu.memref_slice %arg2[%dma_wait3A_87, %dma_wait3A_91] : memref<10x2048xf32, #tpu.memory_space<hbm>> -> memref<1x2048xf32, #tpu.memory_space<hbm>>
    %dma_wait3A_93 = tpu.memref_squeeze %dma_wait3A_92 : memref<1x2048xf32, #tpu.memory_space<hbm>> -> memref<2048xf32, #tpu.memory_space<hbm>>
    tpu.wait_dma2 semaphore(%arg8 : memref<!tpu.dma_semaphore, #tpu.memory_space<semaphore_mem>>) src(%dma_wait3A_93 : memref<2048xf32, #tpu.memory_space<hbm>>) dst(%dma_wait3A_90 : memref<2048xf32, #tpu.memory_space<hbm>>)
    %dma_wait3A_94 = arith.constant 0 : i32
    %dma_wait3A_95 = arith.constant 0 : i32
    %dma_wait3A_96 = tpu.memref_slice %arg4[%mul3A_2, %dma_wait3A_95] : memref<16384x2048xf32, #tpu.memory_space<hbm>> -> memref<1x2048xf32, #tpu.memory_space<hbm>>
    %dma_wait3A_97 = tpu.memref_squeeze %dma_wait3A_96 : memref<1x2048xf32, #tpu.memory_space<hbm>> -> memref<2048xf32, #tpu.memory_space<hbm>>
    %dma_wait3A_98 = arith.constant 0 : i32
    %dma_wait3A_99 = tpu.memref_slice %arg2[%dma_wait3A_94, %dma_wait3A_98] : memref<10x2048xf32, #tpu.memory_space<hbm>> -> memref<1x2048xf32, #tpu.memory_space<hbm>>
    %dma_wait3A_100 = tpu.memref_squeeze %dma_wait3A_99 : memref<1x2048xf32, #tpu.memory_space<hbm>> -> memref<2048xf32, #tpu.memory_space<hbm>>
    tpu.wait_dma2 semaphore(%arg8 : memref<!tpu.dma_semaphore, #tpu.memory_space<semaphore_mem>>) src(%dma_wait3A_100 : memref<2048xf32, #tpu.memory_space<hbm>>) dst(%dma_wait3A_97 : memref<2048xf32, #tpu.memory_space<hbm>>)
    return
  }
}

</mosaic_0001>

<sc_bundles>
// kernel: kernel.3.cloned.1.call-start
scs
__scs_entry_jumppad:
0x0: {  	(pc) =	sbr.rel $0x88, $3  }
0x1: {  	(tag) =	ssettag $0x0;
	lr =	simm.s32 $0x1  }
0x2: {  	[smem:$0x3F9F] =	sst lr;
	_ =	strace $0xD0000000  }
0x3: {  	_ = 	snop  }
0x4: {  	_ = 	snop  }
0x5: {  	_ = 	snop  }
0x6: {  	_ = 	snop  }
0x7: {  	_ = 	snop  }
__scs_overlays_trampoline_lowered:
0x8: {  	[smem:$0x3FAE] =	sst s0  }
0x9: {  	[smem:$0x3FAF] =	sst s1  }
0xa: {  	[smem:$0x3FB0] =	sst s2  }
0xb: {  	[smem:$0x3FB1] =	sst s3  }
0xc: {  	[smem:$0x3FB2] =	sst s4  }
0xd: {  	[smem:$0x3FB3] =	sst s5  }
0xe: {  	[smem:$0x3FB4] =	sst s6  }
0xf: {  	[smem:$0x3FB5] =	sst s7  }
0x10: {  	[smem:$0x3FB6] =	sst s8  }
0x11: {  	[smem:$0x3FB7] =	sst s9;
	s0 =	simm.s32 @!p0 $0x0  }
0x12: {  	s1 =	sld [smem:$0x3F9D];
	s0 =	simm.s32 @p0 $0x1  }
0x13: {  	[smem:$0x3FB8] =	sst s0;
	s0 =	simm.s32 @!p1 $0x0  }
0x14: {  	s2 =	sld [smem:$0x3F9C];
	s0 =	simm.s32 @p1 $0x1  }
0x15: {  	[smem:$0x3FB9] =	sst s0;
	s0 =	simm.s32 @!p2 $0x0  }
0x16: {  	s3 =	sld [smem:$0x3FDB];
	s0 =	simm.s32 @p2 $0x1  }
0x17: {  	s4 =	simm.s32 $0x1BF5;
	[smem:$0x3FBB] =	sst s0  }
0x18: {  	s0 =	sld [smem:$0x3F9E];
	_ =	swait.ge [sflag:s4], $0x0  }
0x19: {  	s7 =	sld [smem:$0x3F9F]  }
0x1a: {  	s8 =	sadd.s32 $0xFFFFE003, lr  }
0x1b: {  	s9 =	sadd.s32 $0xFFFFFEF7, lr;
	s5 =	simm.s32 $0xFFFFFFFF;
	p2 =	slt.u32 s8, $0xFFFFF086  }
0x1c: {  	p1 =	slt.u32 s9, $0xF7A;
	s5 =	simm.s32 @!p2 $0x0  }
0x1d: {  	s5 =	simm.s32 @p1 $0x1;
	p0 =	seq.s32 s7, s2  }
0x1e: {  	s7 =	smul.u32 @!p0 $0xF7A, s2;
	p2 =	seq.s32 @!p0 s5, $0x0  }
0x1f: {  	s9 =	smul.u32 $0xF7A, s1;
	s8 =	simm.s32 @!p0 $0x1BF5;
	p2 =	por !p2, p0  }
0x20: {  	[sflag:s8] =	ssyncset.s32 @!p0 $0xFFFFF086;
	s6 =	sadd.s32 @!p0 s3, s7;
	s7 =	simm.s32 @!p0 $0x108  }
0x21: {  	s3 =	sadd.s32 s3, s9;
	s6 =	sadd.s32 @!p0 $0x88, s6;
	s7 =	simm.s32 @p2 $0x1082  }
0x22: {  	[simem:s7], [sflag:s8] =	dma.local @!p0 [hbm:s6], $0xF7A  }
0x23: {  	s9 =	sor.u32 $0xD0000000, s2;
	s6 =	simm.s32 $0x108;
	_ =	swait.ge @!p0 [sflag:s8], $0x0  }
0x24: {  	s3 =	sadd.s32 $0x88, s3;
	s6 =	simm.s32 @!p1 $0x1082;
	[sflag:s4] =	ssyncset.s32 $0xFFFFF086  }
0x25: {  	[simem:s6], [sflag:s4] =	dma.local [hbm:s3], $0xF7A  }
0x26: {  	[smem:$0x3F9F] =	sst s1;
	(tag) =	ssettag s2;
	_ =	strace s9  }
0x27: {  	s1 =	sld [smem:$0x3FAF]  }
0x28: {  	s2 =	sld [smem:$0x3FB0]  }
0x29: {  	s4 =	sld [smem:$0x3FB2]  }
0x2a: {  	p0 =	seq.s32 s5, $0x0;
	s5 =	sld [smem:$0x3FB3]  }
0x2b: {  	s6 =	sld [smem:$0x3FB4]  }
0x2c: {  	s7 =	sld [smem:$0x3FB5]  }
0x2d: {  	s3 =	simm.s32 $0x108;
	s8 =	sld [smem:$0x3FB6]  }
0x2e: {  	s3 =	simm.s32 @!p0 $0x1082;
	s9 =	sld [smem:$0x3FB7]  }
0x2f: {  	lr =	sadd.s32 s0, s3;
	s0 =	sld [smem:$0x3FAE]  }
0x30: {  	s3 =	sld [smem:$0x3FB1]  }
0x31: {  	[smem:$0x3FBA] =	sst s10  }
0x32: {  	s10 =	sld [smem:$0x3FB8];
	_ =	sdelay $0x3  }
0x33: {  	p0 =	seq.s32 s10, $0x1;
	s10 =	sld [smem:$0x3FBA];
	_ =	sdelay $0x3  }
0x34: {  	[smem:$0x3FBA] =	sst s10  }
0x35: {  	s10 =	sld [smem:$0x3FB9];
	_ =	sdelay $0x3  }
0x36: {  	p1 =	seq.s32 s10, $0x1;
	s10 =	sld [smem:$0x3FBA];
	_ =	sdelay $0x3  }
0x37: {  	[smem:$0x3FBA] =	sst s10  }
0x38: {  	s10 =	sld [smem:$0x3FBB]  }
0x39: {  	_ = 	snop;
	(pc) =	sbr.ind lr, $3  }
0x3a: {  	_ = 	snop  }
0x3b: {  	_ = 	snop  }
0x3c: {  	p2 =	seq.s32 s10, $0x1;
	s10 =	sld [smem:$0x3FBA]  }
0x3d: {  	_ =	shalt  }
0x3e: {  	_ =	shalt  }
0x3f: {  	_ =	shalt  }
0x40: {  	_ =	shalt  }
0x41: {  	_ =	shalt  }
0x42: {  	_ =	shalt  }
0x43: {  	_ =	shalt  }
0x44: {  	_ =	shalt  }
0x45: {  	_ =	shalt  }
0x46: {  	_ =	shalt  }
0x47: {  	_ =	shalt  }
0x48: {  	_ =	shalt  }
0x49: {  	_ =	shalt  }
0x4a: {  	_ =	shalt  }
0x4b: {  	_ =	shalt  }
0x4c: {  	_ =	shalt  }
0x4d: {  	_ =	shalt  }
0x4e: {  	_ =	shalt  }
0x4f: {  	_ =	shalt  }
0x50: {  	_ =	shalt  }
0x51: {  	_ =	shalt  }
0x52: {  	_ =	shalt  }
0x53: {  	_ =	shalt  }
0x54: {  	_ =	shalt  }
0x55: {  	_ =	shalt  }
0x56: {  	_ =	shalt  }
0x57: {  	_ =	shalt  }
0x58: {  	_ =	shalt  }
0x59: {  	_ =	shalt  }
0x5a: {  	_ =	shalt  }
0x5b: {  	_ =	shalt  }
0x5c: {  	_ =	shalt  }
0x5d: {  	_ =	shalt  }
0x5e: {  	_ =	shalt  }
0x5f: {  	_ =	shalt  }
0x60: {  	_ =	shalt  }
0x61: {  	_ =	shalt  }
0x62: {  	_ =	shalt  }
0x63: {  	_ =	shalt  }
0x64: {  	_ =	shalt  }
0x65: {  	_ =	shalt  }
0x66: {  	_ =	shalt  }
0x67: {  	_ =	shalt  }
0x68: {  	_ =	shalt  }
0x69: {  	_ =	shalt  }
0x6a: {  	_ =	shalt  }
0x6b: {  	_ =	shalt  }
0x6c: {  	_ =	shalt  }
0x6d: {  	_ =	shalt  }
0x6e: {  	_ =	shalt  }
0x6f: {  	_ =	shalt  }
0x70: {  	_ =	shalt  }
0x71: {  	_ =	shalt  }
0x72: {  	_ =	shalt  }
0x73: {  	_ =	shalt  }
0x74: {  	_ =	shalt  }
0x75: {  	_ =	shalt  }
0x76: {  	_ =	shalt  }
0x77: {  	_ =	shalt  }
0x78: {  	_ =	shalt  }
0x79: {  	_ =	shalt  }
0x7a: {  	_ =	shalt  }
0x7b: {  	_ =	shalt  }
0x7c: {  	_ =	shalt  }
0x7d: {  	_ =	shalt  }
0x7e: {  	_ =	shalt  }
0x7f: {  	_ =	shalt  }
0x80: {  	_ =	shalt  }
0x81: {  	_ =	shalt  }
0x82: {  	_ =	shalt  }
0x83: {  	_ =	shalt  }
0x84: {  	_ =	shalt  }
0x85: {  	_ =	shalt  }
0x86: {  	_ =	shalt  }
0x87: {  	_ =	shalt  }
.Lfunc_end0:
.L_simem_size_0:
called_computation_lowered:
.L_overlay_start_0:
0x88: {  	s2 =	sld [smem:$0x3FD9]  }
0x89: {  	s3 =	sld [smem:$0x3FFE];
	_ =	sdelay $0x1  }
0x8a: {  	s1 =	srdreg.scid  }
0x8b: {  	s0 =	sand.u32 $0x1, s1  }
0x8c: {  	s18 =	sshll.u32 s0, $0xA;
	s2 =	sadd.s32 s3, s2  }
0x8d: {  	s2 =	sadd.s32 s2, s18  }
0x8e: {  	[smem:$0x3FC6] =	sst s2  }
0x8f: {  	_ = 	snop  }
0x90: {  	s2 =	sld [smem:$0x3FC9]  }
0x91: {  	s19 =	sld [smem:$0x3FC8]  }
0x92: {  	s4 =	sld [smem:$0x3FD0];
	(tm) =	ssettm $0x1  }
0x93: {  	s5 =	sld [smem:$0x3FFB];
	_ =	sdelay $0x3  }
0x94: {  	_ =	strace s5  }
0x95: {  	s5 =	sld [smem:$0x3FFC];
	_ =	sdelay $0x3  }
0x96: {  	_ =	strace s5  }
0x97: {  	s5 =	sld [smem:$0x3FFD];
	_ =	sdelay $0x3  }
0x98: {  	_ =	strace s5  }
0x99: {  	_ =	strace $0x8FFFFFFF  }
0x9a: {  	s20 =	sld [smem:$0x3FDB];
	_ =	sdelay $0x1  }
0x9b: {  	s6 =	simm.s32 $_scs_section_size  }
0x9c: {  	s7 =	simm.s32 $_size__tile_overlayer_lowered;
	s8 =	simm.s32 $_tile_overlayer_lowered  }
0x9d: {  	s23 =	simm.s32 $0x1BFF;
	s22 =	sshll.u32 s8, $0x1;
	s5 =	sadd.s32 s6, s20  }
0x9e: {  	s9 =	simm.s32 $0x0;
	s21 =	sshll.u32 s7, $0x1;
	s7 =	sadd.s32 s22, s5  }
0x9f: {  	[timem:s9], [sflag:s23] =	dma.local [hbm:s7], s21  }
0xa0: {  	_ =	swait.ge [sflag:s23], s21  }
0xa1: {  	s6 =	ssub.s32 $0x0, s21;
	[sflag:s23] =	ssyncset.done $0x0  }
0xa2: {  	[sflag:s23] =	ssyncadd.s32 s6;
	_ =	sdelay $0x1  }
0xa3: {  	s24 =	simm.s32 $0x1B8B  }
0xa4: {  	_ =	swait.ge [sflag:s24], $0x1  }
0xa5: {  	[sflag:s24] =	ssyncset.done $0x0  }
0xa6: {  	s25 =	simm.s32 $0x1B8E;
	[sflag:s24] =	ssyncadd.s32 $0xFFFFFFFF  }
0xa7: {  	s26 =	simm.s32 $execute0_lowered;
	[smem:$0x3FD2] =	sst s25  }
0xa8: {  	s6 =	sshll.u32 s26, $0x1;
	_ =	strace $0x80000046;
	[dreg:$0x1] =	wrdreg $0xFFFFFFFF  }
0xa9: {  	s28 =	simm.s32 $_size_execute0_lowered;
	s5 =	sadd.s32 s5, s6;
	[dreg:$0x0] =	wrdreg $0x0  }
0xaa: {  	s6 =	sshll.u32 s28, $0x1;
	[dreg:$0x2] =	wrdreg s5  }
0xab: {  	[dreg:$0x3] =	wrdreg s6  }
0xac: {  	[dreg:$0x4] =	wrdreg $0xC0  }
0xad: {  	_ =	task [dreg:s9], $0x5FFFF  }
0xae: {  	[dreg:$0x1] =	wrdreg $0xFFFFFFFF  }
0xaf: {  	[dreg:$0x0] =	wrdreg $0x60  }
0xb0: {  	[dreg:$0x2] =	wrdreg s19  }
0xb1: {  	[dreg:$0x3] =	wrdreg s2  }
0xb2: {  	[dreg:$0x4] =	wrdreg s4  }
0xb3: {  	[dreg:$0x5] =	wrdreg $0x0  }
0xb4: {  	[dreg:$0x6] =	wrdreg $0x9  }
0xb5: {  	_ =	task.clear_ibuf [dreg:s9], $0x7FFFF;
	_ =	strace $0x90000046  }
0xb6: {  	s29 =	simm.s32 $0x9;
	_ =	strace $0x80000048  }
0xb7: {  	_ =	swait.ge [sflag:s29], $0x1  }
0xb8: {  	[sflag:s29] =	ssyncadd.s32 $0xFFFFFFFF  }
0xb9: {  	_ =	strace $0x90000048  }
0xba: {  	_ =	sfence  }
0xbb: {  	s30 =	sld [smem:$0x0];
	_ =	sdelay $0x2  }
0xbc: {  	s31 =	sshll.u32 s1, $0xD;
	s1 =	sshrl.u32 s1, $0x2  }
0xbd: {  	s3 =	sand.u32 $0x4000, s31;
	s1 =	sadd.s32 s1, s30  }
0xbe: {  	s0 =	sor.u32 s3, s0;
	s1 =	sshll.u32 s1, $0x11  }
0xbf: {  	s0 =	sor.u32 s1, s0  }
0xc0: {  	s0 =	sadd.s32 $0x8F2B, s0  }
0xc1: {  	[sflag:s0] =	ssyncadd.remote.s32 $0x1  }
0xc2: {  	_ =	sfence.sel $0xFFFF  }
0xc3: {  	[dreg:$0x0] =	wrdreg $0xFFFFFFFF;
	(pc) =	sbr.abs _section_cstart, $3  }
0xc4: {  	[dreg:$0x1] =	wrdreg $0xFFFFFFFF  }
0xc5: {  	_ =	task.clear_ibuf [dreg:s9], $0x2FFFF;
	_ =	strace $0x9FFFFFFF  }
0xc6: {  	(tm) =	ssettm $0x7FFFFFFF  }
0xc7: {  	_ =	shalt  }
tec
execute0_lowered:
.L_overlay_start_1:
0x0: {  	(tag) =	ssettag $0x1  }
0x1: {  	s0 =	rddreg [dreg:$0x1]  }
0x2: {  	s2 =	rddreg [dreg:$0x2]  }
0x3: {  	s1 =	rddreg [dreg:$0x3]  }
0x4: {  	s3 =	srdreg.scid;
	s4 =	simm.s32 $0x0;
	s12 =	stileid.u32  }
0x5: {  	s17 =	simm.s32 $0x2;
	s20 =	simm.s32 $0x1;
	s29 =	simm.s32 $0x0  }
0x6: {  	s3 =	sand.u32 $0x1, s3;
	[smem:$0x7FF] =	sst s4;
	s6 =	sshll.u32 s12, $0x1  }
0x7: {  	s21 =	sshll.u32 s12, $0xA;
	s25 =	sshll.u32 s12, $0x12;
	s31 =	sshll.u32 s12, $0x6  }
0x8: {  	s5 =	ssub.s32 $0x2, s3;
	_ =	strace $0x80000047;
	s6 =	sor.u32 s3, s6  }
0x9: {  	s26 =	sshll.u32 s3, $0x11;
	s18 =	sor.u32 $0x1C02, s31;
	s7 =	sshrl.u32 s5, $0x1  }
0xa: {  	s22 =	sshll.u32 s6, $0x7;
	s8 =	sshll.u32 s6, $0x11;
	s9 =	sshll.u32 s6, $0x6  }
0xb: {  	s11 =	ssub.s32 s5, s7;
	s5 =	sand.u32 $0x3000, s21;
	s7 =	sand.u32 $0x380, s22  }
0xc: {  	s0 =	sadd.s32 s0, s9;
	s1 =	sadd.s32 s5, s1;
	s5 =	sadd.s32 s2, s8  }
0xd: {  	[dreg:$0x5] =	wrdreg s0;
	s23 =	smax.u32 s11, $0x1;
	s0 =	sor.u32 s26, s25  }
0xe: {  	s6 =	sadd.s32 s7, s1;
	s8 =	sadd.s32 $0x10, s5;
	s9 =	sadd.s32 $0x20, s5  }
0xf: {  	s10 =	sadd.s32 $0x30, s5;
	[dreg:$0x6] =	wrdreg s23;
	s15 =	sor.u32 $0x400, s0  }
0x10: {  	s25 =	sadd.s32 $0x80, s5;
	s26 =	sadd.s32 $0x100, s5;
	s24 =	sadd.s32 $0x400, s6  }
0x11: {  	s28 =	sadd.s32 $0x180, s5;
	s30 =	sadd.s32 $0x800, s6;
	[dreg:$0x7] =	wrdreg s24  }
0x12: {  	s14 =	sadd.s32 $0xC00, s6;
	s19 =	sshrl.u32 s6, $0x3;
	[dreg:$0x8] =	wrdreg s30  }
.LBB2_1:
0x13: {  	s0 =	rddreg [dreg:$0x0];
	s1 =	simm.s32 $0x400  }
0x14: {  	[tilespmem:s1], [sflag:$0x2] =	stream.linear.gather [hbm4b:s0+s4], $0x8000, $0x38;
	[tilespmem:$0x8400] =	vst v63  }
0x15: {  	_ =	swait.ge [sflag:s17], $0x8000  }
0x16: {  	s22 =	simm.s32 $0x80;
	[sflag:s17] =	ssyncset.done $0x0  }
0x17: {  	s3 =	simm.s32 $0x10;
	s21 =	rddreg [dreg:$0x5];
	[sflag:s17] =	ssyncadd.s32 $0xFFFF8000  }
0x18: {  	[spmem:s19@s22], [sflag:s18] =	dma.strided [hbm:s21@s3], $0x40, s20, $0x10   }
0x19: {  	_ =	swait.ge [sflag:s17], $0x40  }
0x1a: {  	[sflag:s17] =	ssyncset.done $0x0  }
0x1b: {  	[sflag:s17] =	ssyncadd.s32 $0xFFFFFFC0  }
0x1c: {  	[smem:s4], [sflag:$0x2] =	stream.linear.gather [spmem:s6], $0x80, $0x38;
	[tilespmem:$0x8400] =	vst v63  }
0x1d: {  	s23 =	rddreg [dreg:$0x7]  }
0x1e: {  	[smem:s22], [sflag:$0x2] =	stream.linear.gather [spmem:s23], $0x80, $0x38;
	[tilespmem:$0x8400] =	vst v63  }
0x1f: {  	s24 =	simm.s32 $0x100;
	s0 =	rddreg [dreg:$0x8]  }
0x20: {  	[smem:s24], [sflag:$0x2] =	stream.linear.gather [spmem:s0], $0x80, $0x38;
	[tilespmem:$0x8400] =	vst v63  }
0x21: {  	s3 =	simm.s32 $0x180  }
0x22: {  	[smem:s3], [sflag:$0x2] =	stream.linear.gather [spmem:s14], $0x80, $0x38;
	[tilespmem:$0x8400] =	vst v63  }
0x23: {  	_ =	swait.ge [sflag:s17], $0x200  }
0x24: {  	[sflag:s17] =	ssyncset.done $0x0  }
0x25: {  	[sflag:s17] =	ssyncadd.s32 $0xFFFFFE00  }
0x26: {  	s7 =	sld [smem:$0x0];
	_ =	sdelay $0x2  }
0x27: {  	s11 =	sshll.u32 s7, $0xB;
	s0 =	sshll.u32 s7, $0x7  }
0x28: {  	s1 =	sand.u32 $0xFFFFC000, s11;
	s0 =	sand.u32 $0x380, s0  }
0x29: {  	s0 =	sor.u32 s0, s1  }
0x2a: {  	s1 =	sor.u32 $0x400, s0  }
0x2b: {  	[hbm4b:s5+s4] =	stream.linear.scatter [tilespmem:s1], [sflag:$0x1], $0x80, $0x38;
	[tilespmem:$0x8400] =	vst v63  }
0x2c: {  	s12 =	sor.u32 $0x800, s0  }
0x2d: {  	[hbm4b:s25+s4] =	stream.linear.scatter [tilespmem:s12], [sflag:$0x1], $0x80, $0x38;
	[tilespmem:$0x8400] =	vst v63  }
0x2e: {  	s13 =	sor.u32 $0xC00, s0  }
0x2f: {  	[hbm4b:s26+s4] =	stream.linear.scatter [tilespmem:s13], [sflag:$0x1], $0x80, $0x38;
	[tilespmem:$0x8400] =	vst v63  }
0x30: {  	s16 =	sor.u32 $0x1000, s0  }
0x31: {  	[hbm4b:s28+s4] =	stream.linear.scatter [tilespmem:s16], [sflag:$0x1], $0x80, $0x38;
	[tilespmem:$0x8400] =	vst v63  }
0x32: {  	s22 =	sadd.s32 $0x200, s5;
	s21 =	sor.u32 $0x1400, s0  }
0x33: {  	[hbm4b:s22+s4] =	stream.linear.scatter [tilespmem:s21], [sflag:$0x1], $0x80, $0x38;
	[tilespmem:$0x8400] =	vst v63  }
0x34: {  	s24 =	sadd.s32 $0x280, s5;
	s23 =	sor.u32 $0x1800, s0  }
0x35: {  	[hbm4b:s24+s4] =	stream.linear.scatter [tilespmem:s23], [sflag:$0x1], $0x80, $0x38;
	[tilespmem:$0x8400] =	vst v63  }
0x36: {  	s7 =	sadd.s32 $0x300, s5;
	s3 =	sor.u32 $0x1C00, s0  }
0x37: {  	[hbm4b:s7+s4] =	stream.linear.scatter [tilespmem:s3], [sflag:$0x1], $0x80, $0x38;
	[tilespmem:$0x8400] =	vst v63  }
0x38: {  	s11 =	sor.u32 $0x2000, s0;
	s12 =	sadd.s32 $0x380, s5  }
0x39: {  	[hbm4b:s12+s4] =	stream.linear.scatter [tilespmem:s11], [sflag:$0x1], $0x80, $0x38;
	[tilespmem:$0x8400] =	vst v63  }
0x3a: {  	s13 =	sor.u32 $0x2400, s0;
	s16 =	sadd.s32 $0x400, s5  }
0x3b: {  	[hbm4b:s16+s4] =	stream.linear.scatter [tilespmem:s13], [sflag:$0x1], $0x80, $0x38;
	[tilespmem:$0x8400] =	vst v63  }
0x3c: {  	s21 =	sor.u32 $0x2800, s0;
	s22 =	sadd.s32 $0x480, s5  }
0x3d: {  	[hbm4b:s22+s4] =	stream.linear.scatter [tilespmem:s21], [sflag:$0x1], $0x80, $0x38;
	[tilespmem:$0x8400] =	vst v63  }
0x3e: {  	s23 =	sor.u32 $0x2C00, s0;
	s24 =	sadd.s32 $0x500, s5  }
0x3f: {  	[hbm4b:s24+s4] =	stream.linear.scatter [tilespmem:s23], [sflag:$0x1], $0x80, $0x38;
	[tilespmem:$0x8400] =	vst v63  }
0x40: {  	s3 =	sor.u32 $0x3000, s0;
	s7 =	sadd.s32 $0x580, s5  }
0x41: {  	[hbm4b:s7+s4] =	stream.linear.scatter [tilespmem:s3], [sflag:$0x1], $0x80, $0x38;
	[tilespmem:$0x8400] =	vst v63  }
0x42: {  	s11 =	sor.u32 $0x3400, s0;
	s12 =	sadd.s32 $0x600, s5  }
0x43: {  	[hbm4b:s12+s4] =	stream.linear.scatter [tilespmem:s11], [sflag:$0x1], $0x80, $0x38;
	[tilespmem:$0x8400] =	vst v63  }
0x44: {  	s13 =	sor.u32 $0x3800, s0;
	s16 =	sadd.s32 $0x680, s5;
	s23 =	sld [smem:$0x1]  }
0x45: {  	[hbm4b:s16+s4] =	stream.linear.scatter [tilespmem:s13], [sflag:$0x1], $0x80, $0x38;
	[tilespmem:$0x8400] =	vst v63  }
0x46: {  	s21 =	sor.u32 $0x3C00, s0;
	s22 =	sadd.s32 $0x700, s5;
	s0 =	sadd.s32 $0x4000, s0  }
0x47: {  	[hbm4b:s22+s4] =	stream.linear.scatter [tilespmem:s21], [sflag:$0x1], $0x80, $0x38;
	[tilespmem:$0x8400] =	vst v63  }
0x48: {  	s24 =	sadd.s32 $0x780, s5;
	s7 =	sshll.u32 s23, $0xB;
	s1 =	sshll.u32 s23, $0x7  }
0x49: {  	[hbm4b:s24+s4] =	stream.linear.scatter [tilespmem:s0], [sflag:$0x1], $0x80, $0x38;
	[tilespmem:$0x8400] =	vst v63  }
0x4a: {  	s1 =	sand.u32 $0x380, s1;
	s0 =	sand.u32 $0xFFFFC000, s7  }
0x4b: {  	s0 =	sor.u32 s1, s0  }
0x4c: {  	s1 =	sor.u32 $0x400, s0  }
0x4d: {  	[hbm4b:s8+s4] =	stream.linear.scatter [tilespmem:s1], [sflag:$0x1], $0x80, $0x38;
	[tilespmem:$0x8400] =	vst v63  }
0x4e: {  	s12 =	sadd.s32 $0x80, s8;
	s11 =	sor.u32 $0x800, s0  }
0x4f: {  	[hbm4b:s12+s4] =	stream.linear.scatter [tilespmem:s11], [sflag:$0x1], $0x80, $0x38;
	[tilespmem:$0x8400] =	vst v63  }
0x50: {  	s16 =	sadd.s32 $0x100, s8;
	s13 =	sor.u32 $0xC00, s0  }
0x51: {  	[hbm4b:s16+s4] =	stream.linear.scatter [tilespmem:s13], [sflag:$0x1], $0x80, $0x38;
	[tilespmem:$0x8400] =	vst v63  }
0x52: {  	s22 =	sadd.s32 $0x180, s8;
	s21 =	sor.u32 $0x1000, s0  }
0x53: {  	[hbm4b:s22+s4] =	stream.linear.scatter [tilespmem:s21], [sflag:$0x1], $0x80, $0x38;
	[tilespmem:$0x8400] =	vst v63  }
0x54: {  	s24 =	sadd.s32 $0x200, s8;
	s23 =	sor.u32 $0x1400, s0  }
0x55: {  	[hbm4b:s24+s4] =	stream.linear.scatter [tilespmem:s23], [sflag:$0x1], $0x80, $0x38;
	[tilespmem:$0x8400] =	vst v63  }
0x56: {  	s7 =	sadd.s32 $0x280, s8;
	s3 =	sor.u32 $0x1800, s0  }
0x57: {  	[hbm4b:s7+s4] =	stream.linear.scatter [tilespmem:s3], [sflag:$0x1], $0x80, $0x38;
	[tilespmem:$0x8400] =	vst v63  }
0x58: {  	s11 =	sor.u32 $0x1C00, s0;
	s12 =	sadd.s32 $0x300, s8  }
0x59: {  	[hbm4b:s12+s4] =	stream.linear.scatter [tilespmem:s11], [sflag:$0x1], $0x80, $0x38;
	[tilespmem:$0x8400] =	vst v63  }
0x5a: {  	s13 =	sor.u32 $0x2000, s0;
	s16 =	sadd.s32 $0x380, s8  }
0x5b: {  	[hbm4b:s16+s4] =	stream.linear.scatter [tilespmem:s13], [sflag:$0x1], $0x80, $0x38;
	[tilespmem:$0x8400] =	vst v63  }
0x5c: {  	s21 =	sor.u32 $0x2400, s0;
	s22 =	sadd.s32 $0x400, s8  }
0x5d: {  	[hbm4b:s22+s4] =	stream.linear.scatter [tilespmem:s21], [sflag:$0x1], $0x80, $0x38;
	[tilespmem:$0x8400] =	vst v63  }
0x5e: {  	s23 =	sor.u32 $0x2800, s0;
	s24 =	sadd.s32 $0x480, s8  }
0x5f: {  	[hbm4b:s24+s4] =	stream.linear.scatter [tilespmem:s23], [sflag:$0x1], $0x80, $0x38;
	[tilespmem:$0x8400] =	vst v63  }
0x60: {  	s3 =	sor.u32 $0x2C00, s0;
	s7 =	sadd.s32 $0x500, s8  }
0x61: {  	[hbm4b:s7+s4] =	stream.linear.scatter [tilespmem:s3], [sflag:$0x1], $0x80, $0x38;
	[tilespmem:$0x8400] =	vst v63  }
0x62: {  	s11 =	sor.u32 $0x3000, s0;
	s12 =	sadd.s32 $0x580, s8  }
0x63: {  	[hbm4b:s12+s4] =	stream.linear.scatter [tilespmem:s11], [sflag:$0x1], $0x80, $0x38;
	[tilespmem:$0x8400] =	vst v63  }
0x64: {  	s13 =	sor.u32 $0x3400, s0;
	s16 =	sadd.s32 $0x600, s8  }
0x65: {  	[hbm4b:s16+s4] =	stream.linear.scatter [tilespmem:s13], [sflag:$0x1], $0x80, $0x38;
	[tilespmem:$0x8400] =	vst v63  }
0x66: {  	s21 =	sor.u32 $0x3800, s0;
	s22 =	sadd.s32 $0x680, s8;
	s7 =	sld [smem:$0x2]  }
0x67: {  	[hbm4b:s22+s4] =	stream.linear.scatter [tilespmem:s21], [sflag:$0x1], $0x80, $0x38;
	[tilespmem:$0x8400] =	vst v63  }
0x68: {  	s23 =	sor.u32 $0x3C00, s0;
	s24 =	sadd.s32 $0x700, s8;
	s0 =	sadd.s32 $0x4000, s0  }
0x69: {  	[hbm4b:s24+s4] =	stream.linear.scatter [tilespmem:s23], [sflag:$0x1], $0x80, $0x38;
	[tilespmem:$0x8400] =	vst v63  }
0x6a: {  	s11 =	sadd.s32 $0x780, s8;
	s12 =	sshll.u32 s7, $0xB;
	s1 =	sshll.u32 s7, $0x7  }
0x6b: {  	[hbm4b:s11+s4] =	stream.linear.scatter [tilespmem:s0], [sflag:$0x1], $0x80, $0x38;
	[tilespmem:$0x8400] =	vst v63  }
0x6c: {  	s1 =	sand.u32 $0x380, s1;
	s0 =	sand.u32 $0xFFFFC000, s12  }
0x6d: {  	s0 =	sor.u32 s1, s0  }
0x6e: {  	s1 =	sor.u32 $0x400, s0  }
0x6f: {  	[hbm4b:s9+s4] =	stream.linear.scatter [tilespmem:s1], [sflag:$0x1], $0x80, $0x38;
	[tilespmem:$0x8400] =	vst v63  }
0x70: {  	s16 =	sadd.s32 $0x80, s9;
	s13 =	sor.u32 $0x800, s0  }
0x71: {  	[hbm4b:s16+s4] =	stream.linear.scatter [tilespmem:s13], [sflag:$0x1], $0x80, $0x38;
	[tilespmem:$0x8400] =	vst v63  }
0x72: {  	s22 =	sadd.s32 $0x100, s9;
	s21 =	sor.u32 $0xC00, s0  }
0x73: {  	[hbm4b:s22+s4] =	stream.linear.scatter [tilespmem:s21], [sflag:$0x1], $0x80, $0x38;
	[tilespmem:$0x8400] =	vst v63  }
0x74: {  	s24 =	sadd.s32 $0x180, s9;
	s23 =	sor.u32 $0x1000, s0  }
0x75: {  	[hbm4b:s24+s4] =	stream.linear.scatter [tilespmem:s23], [sflag:$0x1], $0x80, $0x38;
	[tilespmem:$0x8400] =	vst v63  }
0x76: {  	s7 =	sadd.s32 $0x200, s9;
	s3 =	sor.u32 $0x1400, s0  }
0x77: {  	[hbm4b:s7+s4] =	stream.linear.scatter [tilespmem:s3], [sflag:$0x1], $0x80, $0x38;
	[tilespmem:$0x8400] =	vst v63  }
0x78: {  	s12 =	sadd.s32 $0x280, s9;
	s11 =	sor.u32 $0x1800, s0  }
0x79: {  	[hbm4b:s12+s4] =	stream.linear.scatter [tilespmem:s11], [sflag:$0x1], $0x80, $0x38;
	[tilespmem:$0x8400] =	vst v63  }
0x7a: {  	s13 =	sor.u32 $0x1C00, s0;
	s16 =	sadd.s32 $0x300, s9  }
0x7b: {  	[hbm4b:s16+s4] =	stream.linear.scatter [tilespmem:s13], [sflag:$0x1], $0x80, $0x38;
	[tilespmem:$0x8400] =	vst v63  }
0x7c: {  	s21 =	sor.u32 $0x2000, s0;
	s22 =	sadd.s32 $0x380, s9  }
0x7d: {  	[hbm4b:s22+s4] =	stream.linear.scatter [tilespmem:s21], [sflag:$0x1], $0x80, $0x38;
	[tilespmem:$0x8400] =	vst v63  }
0x7e: {  	s23 =	sor.u32 $0x2400, s0;
	s24 =	sadd.s32 $0x400, s9  }
0x7f: {  	[hbm4b:s24+s4] =	stream.linear.scatter [tilespmem:s23], [sflag:$0x1], $0x80, $0x38;
	[tilespmem:$0x8400] =	vst v63  }
0x80: {  	s3 =	sor.u32 $0x2800, s0;
	s7 =	sadd.s32 $0x480, s9  }
0x81: {  	[hbm4b:s7+s4] =	stream.linear.scatter [tilespmem:s3], [sflag:$0x1], $0x80, $0x38;
	[tilespmem:$0x8400] =	vst v63  }
0x82: {  	s11 =	sor.u32 $0x2C00, s0;
	s12 =	sadd.s32 $0x500, s9  }
0x83: {  	[hbm4b:s12+s4] =	stream.linear.scatter [tilespmem:s11], [sflag:$0x1], $0x80, $0x38;
	[tilespmem:$0x8400] =	vst v63  }
0x84: {  	s13 =	sor.u32 $0x3000, s0;
	s16 =	sadd.s32 $0x580, s9  }
0x85: {  	[hbm4b:s16+s4] =	stream.linear.scatter [tilespmem:s13], [sflag:$0x1], $0x80, $0x38;
	[tilespmem:$0x8400] =	vst v63  }
0x86: {  	s21 =	sor.u32 $0x3400, s0;
	s22 =	sadd.s32 $0x600, s9  }
0x87: {  	[hbm4b:s22+s4] =	stream.linear.scatter [tilespmem:s21], [sflag:$0x1], $0x80, $0x38;
	[tilespmem:$0x8400] =	vst v63  }
0x88: {  	s23 =	sor.u32 $0x3800, s0;
	s24 =	sadd.s32 $0x680, s9;
	s12 =	sld [smem:$0x3]  }
0x89: {  	[hbm4b:s24+s4] =	stream.linear.scatter [tilespmem:s23], [sflag:$0x1], $0x80, $0x38;
	[tilespmem:$0x8400] =	vst v63  }
0x8a: {  	s7 =	sor.u32 $0x3C00, s0;
	s0 =	sadd.s32 $0x4000, s0;
	s11 =	sadd.s32 $0x700, s9  }
0x8b: {  	[hbm4b:s11+s4] =	stream.linear.scatter [tilespmem:s7], [sflag:$0x1], $0x80, $0x38;
	[tilespmem:$0x8400] =	vst v63  }
0x8c: {  	s13 =	sadd.s32 $0x780, s9;
	s16 =	sshll.u32 s12, $0xB;
	s1 =	sshll.u32 s12, $0x7  }
0x8d: {  	[hbm4b:s13+s4] =	stream.linear.scatter [tilespmem:s0], [sflag:$0x1], $0x80, $0x38;
	[tilespmem:$0x8400] =	vst v63  }
0x8e: {  	s1 =	sand.u32 $0x380, s1;
	s0 =	sand.u32 $0xFFFFC000, s16  }
0x8f: {  	s0 =	sor.u32 s1, s0  }
0x90: {  	s1 =	sor.u32 $0x400, s0  }
0x91: {  	[hbm4b:s10+s4] =	stream.linear.scatter [tilespmem:s1], [sflag:$0x1], $0x80, $0x38;
	[tilespmem:$0x8400] =	vst v63  }
0x92: {  	s22 =	sadd.s32 $0x80, s10;
	s21 =	sor.u32 $0x800, s0  }
0x93: {  	[hbm4b:s22+s4] =	stream.linear.scatter [tilespmem:s21], [sflag:$0x1], $0x80, $0x38;
	[tilespmem:$0x8400] =	vst v63  }
0x94: {  	s24 =	sadd.s32 $0x100, s10;
	s23 =	sor.u32 $0xC00, s0  }
0x95: {  	[hbm4b:s24+s4] =	stream.linear.scatter [tilespmem:s23], [sflag:$0x1], $0x80, $0x38;
	[tilespmem:$0x8400] =	vst v63  }
0x96: {  	s7 =	sadd.s32 $0x180, s10;
	s3 =	sor.u32 $0x1000, s0  }
0x97: {  	[hbm4b:s7+s4] =	stream.linear.scatter [tilespmem:s3], [sflag:$0x1], $0x80, $0x38;
	[tilespmem:$0x8400] =	vst v63  }
0x98: {  	s12 =	sadd.s32 $0x200, s10;
	s11 =	sor.u32 $0x1400, s0  }
0x99: {  	[hbm4b:s12+s4] =	stream.linear.scatter [tilespmem:s11], [sflag:$0x1], $0x80, $0x38;
	[tilespmem:$0x8400] =	vst v63  }
0x9a: {  	s16 =	sadd.s32 $0x280, s10;
	s13 =	sor.u32 $0x1800, s0  }
0x9b: {  	[hbm4b:s16+s4] =	stream.linear.scatter [tilespmem:s13], [sflag:$0x1], $0x80, $0x38;
	[tilespmem:$0x8400] =	vst v63  }
0x9c: {  	s21 =	sor.u32 $0x1C00, s0;
	s22 =	sadd.s32 $0x300, s10  }
0x9d: {  	[hbm4b:s22+s4] =	stream.linear.scatter [tilespmem:s21], [sflag:$0x1], $0x80, $0x38;
	[tilespmem:$0x8400] =	vst v63  }
0x9e: {  	s23 =	sor.u32 $0x2000, s0;
	s24 =	sadd.s32 $0x380, s10  }
0x9f: {  	[hbm4b:s24+s4] =	stream.linear.scatter [tilespmem:s23], [sflag:$0x1], $0x80, $0x38;
	[tilespmem:$0x8400] =	vst v63  }
0xa0: {  	s3 =	sor.u32 $0x2400, s0;
	s7 =	sadd.s32 $0x400, s10  }
0xa1: {  	[hbm4b:s7+s4] =	stream.linear.scatter [tilespmem:s3], [sflag:$0x1], $0x80, $0x38;
	[tilespmem:$0x8400] =	vst v63  }
0xa2: {  	s11 =	sor.u32 $0x2800, s0;
	s12 =	sadd.s32 $0x480, s10  }
0xa3: {  	[hbm4b:s12+s4] =	stream.linear.scatter [tilespmem:s11], [sflag:$0x1], $0x80, $0x38;
	[tilespmem:$0x8400] =	vst v63  }
0xa4: {  	s13 =	sor.u32 $0x2C00, s0;
	s16 =	sadd.s32 $0x500, s10  }
0xa5: {  	[hbm4b:s16+s4] =	stream.linear.scatter [tilespmem:s13], [sflag:$0x1], $0x80, $0x38;
	[tilespmem:$0x8400] =	vst v63  }
0xa6: {  	s21 =	sor.u32 $0x3000, s0;
	s22 =	sadd.s32 $0x580, s10  }
0xa7: {  	[hbm4b:s22+s4] =	stream.linear.scatter [tilespmem:s21], [sflag:$0x1], $0x80, $0x38;
	[tilespmem:$0x8400] =	vst v63  }
0xa8: {  	s23 =	sor.u32 $0x3400, s0;
	s24 =	sadd.s32 $0x600, s10  }
0xa9: {  	[hbm4b:s24+s4] =	stream.linear.scatter [tilespmem:s23], [sflag:$0x1], $0x80, $0x38;
	[tilespmem:$0x8400] =	vst v63  }
0xaa: {  	s3 =	sor.u32 $0x3800, s0;
	s7 =	sadd.s32 $0x680, s10  }
0xab: {  	[hbm4b:s7+s4] =	stream.linear.scatter [tilespmem:s3], [sflag:$0x1], $0x80, $0x38;
	[tilespmem:$0x8400] =	vst v63  }
0xac: {  	s11 =	sor.u32 $0x3C00, s0;
	s12 =	sadd.s32 $0x700, s10  }
0xad: {  	[hbm4b:s12+s4] =	stream.linear.scatter [tilespmem:s11], [sflag:$0x1], $0x80, $0x38;
	[tilespmem:$0x8400] =	vst v63  }
0xae: {  	s0 =	sadd.s32 $0x4000, s0;
	s13 =	sadd.s32 $0x780, s10  }
0xaf: {  	[hbm4b:s13+s4] =	stream.linear.scatter [tilespmem:s0], [sflag:$0x1], $0x80, $0x38;
	[tilespmem:$0x8400] =	vst v63  }
0xb0: {  	s0 =	sld [smem:$0x4];
	_ =	sdelay $0x2  }
0xb1: {  	s16 =	simm.s32 $0x40;
	s21 =	sshll.u32 s0, $0xB;
	s0 =	sshll.u32 s0, $0x7  }
0xb2: {  	s1 =	sand.u32 $0x40, s16;
	s3 =	sand.u32 $0xFFFFC000, s21;
	s16 =	sand.u32 $0x380, s0  }
0xb3: {  	s1 =	sadd.s32 s2, s1;
	s0 =	sand.u32 $0xFFFF800, s15;
	s3 =	sor.u32 s16, s3  }
0xb4: {  	s30 =	sadd.s32 s0, s1;
	s22 =	sor.u32 $0x400, s3  }
0xb5: {  	[hbm4b:s30+s4] =	stream.linear.scatter [tilespmem:s22], [sflag:$0x1], $0x80, $0x38;
	[tilespmem:$0x8400] =	vst v63  }
0xb6: {  	s23 =	sor.u32 $0x800, s3;
	s24 =	sadd.s32 $0x80, s30  }
0xb7: {  	[hbm4b:s24+s4] =	stream.linear.scatter [tilespmem:s23], [sflag:$0x1], $0x80, $0x38;
	[tilespmem:$0x8400] =	vst v63  }
0xb8: {  	s7 =	sor.u32 $0xC00, s3;
	s11 =	sadd.s32 $0x100, s30  }
0xb9: {  	[hbm4b:s11+s4] =	stream.linear.scatter [tilespmem:s7], [sflag:$0x1], $0x80, $0x38;
	[tilespmem:$0x8400] =	vst v63  }
0xba: {  	s12 =	sor.u32 $0x1000, s3;
	s13 =	sadd.s32 $0x180, s30  }
0xbb: {  	[hbm4b:s13+s4] =	stream.linear.scatter [tilespmem:s12], [sflag:$0x1], $0x80, $0x38;
	[tilespmem:$0x8400] =	vst v63  }
0xbc: {  	s21 =	sor.u32 $0x1400, s3;
	s22 =	sadd.s32 $0x200, s30  }
0xbd: {  	[hbm4b:s22+s4] =	stream.linear.scatter [tilespmem:s21], [sflag:$0x1], $0x80, $0x38;
	[tilespmem:$0x8400] =	vst v63  }
0xbe: {  	s23 =	sor.u32 $0x1800, s3;
	s24 =	sadd.s32 $0x280, s30  }
0xbf: {  	[hbm4b:s24+s4] =	stream.linear.scatter [tilespmem:s23], [sflag:$0x1], $0x80, $0x38;
	[tilespmem:$0x8400] =	vst v63  }
0xc0: {  	s7 =	sor.u32 $0x1C00, s3;
	s11 =	sadd.s32 $0x300, s30  }
0xc1: {  	[hbm4b:s11+s4] =	stream.linear.scatter [tilespmem:s7], [sflag:$0x1], $0x80, $0x38;
	[tilespmem:$0x8400] =	vst v63  }
0xc2: {  	s16 =	sor.u32 $0x2400, s3;
	s12 =	sor.u32 $0x2000, s3;
	s13 =	sadd.s32 $0x380, s30  }
0xc3: {  	[hbm4b:s13+s4] =	stream.linear.scatter [tilespmem:s12], [sflag:$0x1], $0x80, $0x38;
	[tilespmem:$0x8400] =	vst v63  }
0xc4: {  	s21 =	sadd.s32 $0x400, s30;
	s23 =	sor.u32 $0x2800, s3;
	s22 =	sld [smem:$0x5]  }
0xc5: {  	[hbm4b:s21+s4] =	stream.linear.scatter [tilespmem:s16], [sflag:$0x1], $0x80, $0x38;
	[tilespmem:$0x8400] =	vst v63  }
0xc6: {  	s24 =	sadd.s32 $0x480, s30;
	s7 =	sadd.s32 $0x500, s30;
	s11 =	sor.u32 $0x2C00, s3  }
0xc7: {  	[hbm4b:s24+s4] =	stream.linear.scatter [tilespmem:s23], [sflag:$0x1], $0x80, $0x38;
	[tilespmem:$0x8400] =	vst v63  }
0xc8: {  	s12 =	sadd.s32 $0x580, s30;
	s13 =	sor.u32 $0x3000, s3;
	s16 =	sadd.s32 $0x600, s30  }
0xc9: {  	[hbm4b:s7+s4] =	stream.linear.scatter [tilespmem:s11], [sflag:$0x1], $0x80, $0x38;
	[tilespmem:$0x8400] =	vst v63  }
0xca: {  	s21 =	sor.u32 $0x3400, s3;
	s23 =	sor.u32 $0x3800, s3;
	s24 =	sadd.s32 $0x680, s30  }
0xcb: {  	[hbm4b:s12+s4] =	stream.linear.scatter [tilespmem:s13], [sflag:$0x1], $0x80, $0x38;
	[tilespmem:$0x8400] =	vst v63  }
0xcc: {  	s7 =	sshll.u32 s22, $0xB;
	s11 =	sor.u32 $0x3C00, s3;
	s3 =	sadd.s32 $0x4000, s3  }
0xcd: {  	[hbm4b:s16+s4] =	stream.linear.scatter [tilespmem:s21], [sflag:$0x1], $0x80, $0x38;
	[tilespmem:$0x8400] =	vst v63  }
0xce: {  	s1 =	sand.u32 $0xFFFFC000, s7;
	s12 =	sshll.u32 s22, $0x7;
	s13 =	simm.s32 $0x50  }
0xcf: {  	[hbm4b:s24+s4] =	stream.linear.scatter [tilespmem:s23], [sflag:$0x1], $0x80, $0x38;
	[tilespmem:$0x8400] =	vst v63  }
0xd0: {  	s22 =	sand.u32 $0x50, s13;
	s16 =	sand.u32 $0x380, s12;
	s23 =	sadd.s32 $0x700, s30  }
0xd1: {  	[hbm4b:s23+s4] =	stream.linear.scatter [tilespmem:s11], [sflag:$0x1], $0x80, $0x38;
	[tilespmem:$0x8400] =	vst v63  }
0xd2: {  	s22 =	sadd.s32 s2, s22;
	s21 =	sadd.s32 $0x780, s30;
	s1 =	sor.u32 s16, s1  }
0xd3: {  	[hbm4b:s21+s4] =	stream.linear.scatter [tilespmem:s3], [sflag:$0x1], $0x80, $0x38;
	[tilespmem:$0x8400] =	vst v63  }
0xd4: {  	s3 =	sadd.s32 s0, s22;
	s22 =	sor.u32 $0x400, s1  }
0xd5: {  	[hbm4b:s3+s4] =	stream.linear.scatter [tilespmem:s22], [sflag:$0x1], $0x80, $0x38;
	[tilespmem:$0x8400] =	vst v63  }
0xd6: {  	s23 =	sor.u32 $0x800, s1;
	s22 =	sadd.s32 $0x80, s3  }
0xd7: {  	[hbm4b:s22+s4] =	stream.linear.scatter [tilespmem:s23], [sflag:$0x1], $0x80, $0x38;
	[tilespmem:$0x8400] =	vst v63  }
0xd8: {  	s24 =	sor.u32 $0xC00, s1;
	s7 =	sadd.s32 $0x100, s3  }
0xd9: {  	[hbm4b:s7+s4] =	stream.linear.scatter [tilespmem:s24], [sflag:$0x1], $0x80, $0x38;
	[tilespmem:$0x8400] =	vst v63  }
0xda: {  	s11 =	sor.u32 $0x1000, s1;
	s12 =	sadd.s32 $0x180, s3  }
0xdb: {  	[hbm4b:s12+s4] =	stream.linear.scatter [tilespmem:s11], [sflag:$0x1], $0x80, $0x38;
	[tilespmem:$0x8400] =	vst v63  }
0xdc: {  	s13 =	sor.u32 $0x1400, s1;
	s21 =	sadd.s32 $0x200, s3  }
0xdd: {  	[hbm4b:s21+s4] =	stream.linear.scatter [tilespmem:s13], [sflag:$0x1], $0x80, $0x38;
	[tilespmem:$0x8400] =	vst v63  }
0xde: {  	s22 =	sor.u32 $0x1800, s1;
	s23 =	sadd.s32 $0x280, s3  }
0xdf: {  	[hbm4b:s23+s4] =	stream.linear.scatter [tilespmem:s22], [sflag:$0x1], $0x80, $0x38;
	[tilespmem:$0x8400] =	vst v63  }
0xe0: {  	s24 =	sor.u32 $0x1C00, s1;
	s7 =	sadd.s32 $0x300, s3  }
0xe1: {  	[hbm4b:s7+s4] =	stream.linear.scatter [tilespmem:s24], [sflag:$0x1], $0x80, $0x38;
	[tilespmem:$0x8400] =	vst v63  }
0xe2: {  	s11 =	sor.u32 $0x2000, s1;
	s12 =	sadd.s32 $0x380, s3  }
0xe3: {  	[hbm4b:s12+s4] =	stream.linear.scatter [tilespmem:s11], [sflag:$0x1], $0x80, $0x38;
	[tilespmem:$0x8400] =	vst v63  }
0xe4: {  	s13 =	sor.u32 $0x2400, s1;
	s21 =	sadd.s32 $0x400, s3  }
0xe5: {  	[hbm4b:s21+s4] =	stream.linear.scatter [tilespmem:s13], [sflag:$0x1], $0x80, $0x38;
	[tilespmem:$0x8400] =	vst v63  }
0xe6: {  	s22 =	sor.u32 $0x2800, s1;
	s23 =	sadd.s32 $0x480, s3;
	s24 =	sor.u32 $0x2C00, s1  }
0xe7: {  	[hbm4b:s23+s4] =	stream.linear.scatter [tilespmem:s22], [sflag:$0x1], $0x80, $0x38;
	[tilespmem:$0x8400] =	vst v63  }
0xe8: {  	s7 =	sadd.s32 $0x500, s3;
	s11 =	sor.u32 $0x3000, s1;
	s12 =	sadd.s32 $0x580, s3  }
0xe9: {  	[hbm4b:s7+s4] =	stream.linear.scatter [tilespmem:s24], [sflag:$0x1], $0x80, $0x38;
	[tilespmem:$0x8400] =	vst v63  }
0xea: {  	s13 =	sor.u32 $0x3400, s1;
	s21 =	sadd.s32 $0x600, s3;
	s22 =	sor.u32 $0x3800, s1  }
0xeb: {  	[hbm4b:s12+s4] =	stream.linear.scatter [tilespmem:s11], [sflag:$0x1], $0x80, $0x38;
	[tilespmem:$0x8400] =	vst v63  }
0xec: {  	s24 =	sadd.s32 $0x680, s3;
	s7 =	sor.u32 $0x3C00, s1;
	s23 =	sld [smem:$0x6]  }
0xed: {  	[hbm4b:s21+s4] =	stream.linear.scatter [tilespmem:s13], [sflag:$0x1], $0x80, $0x38;
	[tilespmem:$0x8400] =	vst v63  }
0xee: {  	s1 =	sadd.s32 $0x4000, s1;
	s11 =	sadd.s32 $0x700, s3;
	s12 =	simm.s32 $0x60  }
0xef: {  	[hbm4b:s24+s4] =	stream.linear.scatter [tilespmem:s22], [sflag:$0x1], $0x80, $0x38;
	[tilespmem:$0x8400] =	vst v63  }
0xf0: {  	s3 =	sadd.s32 $0x780, s3;
	s13 =	sshll.u32 s23, $0x7;
	s23 =	sshll.u32 s23, $0xB  }
0xf1: {  	[hbm4b:s11+s4] =	stream.linear.scatter [tilespmem:s7], [sflag:$0x1], $0x80, $0x38;
	[tilespmem:$0x8400] =	vst v63  }
0xf2: {  	s16 =	sand.u32 $0x60, s12;
	s23 =	sand.u32 $0xFFFFC000, s23;
	s22 =	sand.u32 $0x380, s13  }
0xf3: {  	[hbm4b:s3+s4] =	stream.linear.scatter [tilespmem:s1], [sflag:$0x1], $0x80, $0x38;
	[tilespmem:$0x8400] =	vst v63  }
0xf4: {  	s21 =	sadd.s32 s2, s16;
	s3 =	sor.u32 s22, s23  }
0xf5: {  	s0 =	sadd.s32 s0, s21;
	s24 =	sor.u32 $0x400, s3  }
0xf6: {  	[hbm4b:s0+s4] =	stream.linear.scatter [tilespmem:s24], [sflag:$0x1], $0x80, $0x38;
	[tilespmem:$0x8400] =	vst v63  }
0xf7: {  	s11 =	sadd.s32 $0x80, s0;
	s7 =	sor.u32 $0x800, s3  }
0xf8: {  	[hbm4b:s11+s4] =	stream.linear.scatter [tilespmem:s7], [sflag:$0x1], $0x80, $0x38;
	[tilespmem:$0x8400] =	vst v63  }
0xf9: {  	s13 =	sadd.s32 $0x100, s0;
	s12 =	sor.u32 $0xC00, s3  }
0xfa: {  	[hbm4b:s13+s4] =	stream.linear.scatter [tilespmem:s12], [sflag:$0x1], $0x80, $0x38;
	[tilespmem:$0x8400] =	vst v63  }
0xfb: {  	s22 =	sadd.s32 $0x180, s0;
	s21 =	sor.u32 $0x1000, s3  }
0xfc: {  	[hbm4b:s22+s4] =	stream.linear.scatter [tilespmem:s21], [sflag:$0x1], $0x80, $0x38;
	[tilespmem:$0x8400] =	vst v63  }
0xfd: {  	s23 =	sor.u32 $0x1400, s3;
	s24 =	sadd.s32 $0x200, s0  }
0xfe: {  	[hbm4b:s24+s4] =	stream.linear.scatter [tilespmem:s23], [sflag:$0x1], $0x80, $0x38;
	[tilespmem:$0x8400] =	vst v63  }
0xff: {  	s7 =	sor.u32 $0x1800, s3;
	s11 =	sadd.s32 $0x280, s0  }
0x100: {  	[hbm4b:s11+s4] =	stream.linear.scatter [tilespmem:s7], [sflag:$0x1], $0x80, $0x38;
	[tilespmem:$0x8400] =	vst v63  }
0x101: {  	s12 =	sor.u32 $0x1C00, s3;
	s13 =	sadd.s32 $0x300, s0  }
0x102: {  	[hbm4b:s13+s4] =	stream.linear.scatter [tilespmem:s12], [sflag:$0x1], $0x80, $0x38;
	[tilespmem:$0x8400] =	vst v63  }
0x103: {  	s21 =	sor.u32 $0x2000, s3;
	s22 =	sadd.s32 $0x380, s0  }
0x104: {  	[hbm4b:s22+s4] =	stream.linear.scatter [tilespmem:s21], [sflag:$0x1], $0x80, $0x38;
	[tilespmem:$0x8400] =	vst v63  }
0x105: {  	s23 =	sor.u32 $0x2400, s3;
	s24 =	sadd.s32 $0x400, s0;
	s22 =	sld [smem:$0x7]  }
0x106: {  	[hbm4b:s24+s4] =	stream.linear.scatter [tilespmem:s23], [sflag:$0x1], $0x80, $0x38;
	[tilespmem:$0x8400] =	vst v63  }
0x107: {  	s7 =	sor.u32 $0x2800, s3;
	s11 =	sadd.s32 $0x480, s0  }
0x108: {  	[hbm4b:s11+s4] =	stream.linear.scatter [tilespmem:s7], [sflag:$0x1], $0x80, $0x38;
	[tilespmem:$0x8400] =	vst v63  }
0x109: {  	s12 =	sor.u32 $0x2C00, s3;
	s13 =	sadd.s32 $0x500, s0  }
0x10a: {  	[hbm4b:s13+s4] =	stream.linear.scatter [tilespmem:s12], [sflag:$0x1], $0x80, $0x38;
	[tilespmem:$0x8400] =	vst v63  }
0x10b: {  	s16 =	sadd.s32 $0x580, s0;
	s23 =	sor.u32 $0x3000, s3;
	s24 =	sadd.s32 $0x600, s0  }
0x10c: {  	[hbm4b:s16+s4] =	stream.linear.scatter [tilespmem:s23], [sflag:$0x1], $0x80, $0x38;
	[tilespmem:$0x8400] =	vst v63  }
0x10d: {  	s11 =	sor.u32 $0x3800, s3;
	s21 =	sshll.u32 s22, $0xB;
	s23 =	sor.u32 $0x3400, s3  }
0x10e: {  	[hbm4b:s24+s4] =	stream.linear.scatter [tilespmem:s23], [sflag:$0x1], $0x80, $0x38;
	[tilespmem:$0x8400] =	vst v63  }
0x10f: {  	s7 =	sshll.u32 s22, $0x7;
	s1 =	sand.u32 $0xFFFFC000, s21;
	s12 =	sadd.s32 $0x680, s0  }
0x110: {  	[hbm4b:s12+s4] =	stream.linear.scatter [tilespmem:s11], [sflag:$0x1], $0x80, $0x38;
	[tilespmem:$0x8400] =	vst v63  }
0x111: {  	s13 =	sor.u32 $0x3C00, s3;
	s21 =	sadd.s32 $0x700, s0;
	s16 =	sand.u32 $0x380, s7  }
0x112: {  	[hbm4b:s21+s4] =	stream.linear.scatter [tilespmem:s13], [sflag:$0x1], $0x80, $0x38;
	[tilespmem:$0x8400] =	vst v63  }
0x113: {  	s0 =	sadd.s32 $0x780, s0;
	s16 =	sor.u32 s16, s1;
	s24 =	sadd.s32 $0x4000, s3  }
0x114: {  	[hbm4b:s0+s4] =	stream.linear.scatter [tilespmem:s24], [sflag:$0x1], $0x80, $0x38;
	[tilespmem:$0x8400] =	vst v63  }
0x115: {  	s1 =	sadd.s32 $0x30, s30;
	s3 =	sor.u32 $0x400, s16  }
0x116: {  	[hbm4b:s1+s4] =	stream.linear.scatter [tilespmem:s3], [sflag:$0x1], $0x80, $0x38;
	[tilespmem:$0x8400] =	vst v63  }
0x117: {  	s7 =	sor.u32 $0x800, s16;
	s11 =	sadd.s32 $0xB0, s30  }
0x118: {  	[hbm4b:s11+s4] =	stream.linear.scatter [tilespmem:s7], [sflag:$0x1], $0x80, $0x38;
	[tilespmem:$0x8400] =	vst v63  }
0x119: {  	s12 =	sor.u32 $0xC00, s16;
	s13 =	sadd.s32 $0x130, s30  }
0x11a: {  	[hbm4b:s13+s4] =	stream.linear.scatter [tilespmem:s12], [sflag:$0x1], $0x80, $0x38;
	[tilespmem:$0x8400] =	vst v63  }
0x11b: {  	s22 =	sadd.s32 $0x1B0, s30;
	s21 =	sor.u32 $0x1000, s16  }
0x11c: {  	[hbm4b:s22+s4] =	stream.linear.scatter [tilespmem:s21], [sflag:$0x1], $0x80, $0x38;
	[tilespmem:$0x8400] =	vst v63  }
0x11d: {  	s23 =	sor.u32 $0x1400, s16;
	s24 =	sadd.s32 $0x230, s30  }
0x11e: {  	[hbm4b:s24+s4] =	stream.linear.scatter [tilespmem:s23], [sflag:$0x1], $0x80, $0x38;
	[tilespmem:$0x8400] =	vst v63  }
0x11f: {  	s31 =	simm.s32 $0xA0;
	s1 =	sor.u32 $0x1800, s16;
	s3 =	sadd.s32 $0x2B0, s30  }
0x120: {  	[hbm4b:s3+s4] =	stream.linear.scatter [tilespmem:s1], [sflag:$0x1], $0x80, $0x38;
	[tilespmem:$0x8400] =	vst v63  }
0x121: {  	s0 =	simm.s32 $0xB;
	s7 =	sor.u32 $0x1C00, s16;
	s11 =	sadd.s32 $0x330, s30  }
0x122: {  	[hbm4b:s11+s4] =	stream.linear.scatter [tilespmem:s7], [sflag:$0x1], $0x80, $0x38;
	[tilespmem:$0x8400] =	vst v63  }
0x123: {  	s12 =	sor.u32 $0x2000, s16;
	s13 =	sadd.s32 $0x3B0, s30;
	s21 =	sor.u32 $0x2400, s16  }
0x124: {  	[hbm4b:s13+s4] =	stream.linear.scatter [tilespmem:s12], [sflag:$0x1], $0x80, $0x38;
	[tilespmem:$0x8400] =	vst v63  }
0x125: {  	s22 =	sadd.s32 $0x430, s30;
	s23 =	sor.u32 $0x2800, s16;
	s24 =	sadd.s32 $0x4B0, s30  }
0x126: {  	[hbm4b:s22+s4] =	stream.linear.scatter [tilespmem:s21], [sflag:$0x1], $0x80, $0x38;
	[tilespmem:$0x8400] =	vst v63  }
0x127: {  	s1 =	sor.u32 $0x2C00, s16;
	s3 =	sadd.s32 $0x400, s15;
	s22 =	sadd.s32 $0x530, s30  }
0x128: {  	[hbm4b:s24+s4] =	stream.linear.scatter [tilespmem:s23], [sflag:$0x1], $0x80, $0x38;
	[tilespmem:$0x8400] =	vst v63  }
.LBB2_2:
0x129: {  	[hbm4b:s22+s4] =	stream.linear.scatter [tilespmem:s1], [sflag:$0x1], $0x80, $0x38;
	[tilespmem:$0x8400] =	vst v63  }
0x12a: {  	s1 =	smov.u32 s31  }
0x12b: {  	p0 =	sne.s32 s31, $0x1FE0;
	s22 =	sor.u32 $0x3000, s16;
	s23 =	sadd.s32 $0x5B0, s30  }
0x12c: {  	[hbm4b:s23+s4] =	stream.linear.scatter [tilespmem:s22], [sflag:$0x1], $0x80, $0x38;
	[tilespmem:$0x8400] =	vst v63  }
0x12d: {  	s31 =	sadd.s32 $0x40, s31;
	s22 =	sor.u32 $0x3400, s16;
	s23 =	sadd.s32 $0x630, s30  }
0x12e: {  	[hbm4b:s23+s4] =	stream.linear.scatter [tilespmem:s22], [sflag:$0x1], $0x80, $0x38;
	[tilespmem:$0x8400] =	vst v63  }
0x12f: {  	s22 =	sor.u32 $0x3800, s16;
	s23 =	sadd.s32 $0x6B0, s30  }
0x130: {  	[hbm4b:s23+s4] =	stream.linear.scatter [tilespmem:s22], [sflag:$0x1], $0x80, $0x38;
	[tilespmem:$0x8400] =	vst v63  }
0x131: {  	s24 =	sadd.s32 $0x730, s30;
	s22 =	sadd.s32 $0xFFFFFFE0, s1;
	s23 =	sor.u32 $0x3C00, s16  }
0x132: {  	[hbm4b:s24+s4] =	stream.linear.scatter [tilespmem:s23], [sflag:$0x1], $0x80, $0x38;
	[tilespmem:$0x8400] =	vst v63  }
0x133: {  	s16 =	sadd.s32 $0x4000, s16;
	s22 =	sand.u32 $0x40, s22;
	s23 =	sadd.s32 $0x7B0, s30  }
0x134: {  	[hbm4b:s23+s4] =	stream.linear.scatter [tilespmem:s16], [sflag:$0x1], $0x80, $0x38;
	[tilespmem:$0x8400] =	vst v63  }
0x135: {  	s23 =	sadd.s32 s2, s22;
	_ =	swait.ge [sflag:s20], $0x100  }
0x136: {  	[sflag:s20] =	ssyncset.done $0x0  }
0x137: {  	[sflag:s20] =	ssyncadd.s32 $0xFFFFFF00  }
0x138: {  	_ =	swait.ge [sflag:s20], $0x100  }
0x139: {  	[sflag:s20] =	ssyncset.done $0x0  }
0x13a: {  	[sflag:s20] =	ssyncadd.s32 $0xFFFFFF00  }
0x13b: {  	_ =	swait.ge [sflag:s20], $0x100  }
0x13c: {  	[sflag:s20] =	ssyncset.done $0x0  }
0x13d: {  	[sflag:s20] =	ssyncadd.s32 $0xFFFFFF00  }
0x13e: {  	_ =	swait.ge [sflag:s20], $0x100  }
0x13f: {  	[sflag:s20] =	ssyncset.done $0x0  }
0x140: {  	[sflag:s20] =	ssyncadd.s32 $0xFFFFFF00;
	_ =	sdelay $0x1  }
0x141: {  	s16 =	sld [smem:s0+$0xFFFFFFFD];
	_ =	sdelay $0x2  }
0x142: {  	s22 =	sshll.u32 s16, $0xB;
	s16 =	sshll.u32 s16, $0x7  }
0x143: {  	s22 =	sand.u32 $0xFFFFC000, s22;
	s24 =	sand.u32 $0x380, s16  }
0x144: {  	s16 =	sand.u32 $0xFFFF800, s3;
	s22 =	sor.u32 s24, s22  }
0x145: {  	s30 =	sadd.s32 s16, s23;
	s23 =	sor.u32 $0x400, s22;
	s24 =	sor.u32 $0x800, s22  }
0x146: {  	[hbm4b:s30+s4] =	stream.linear.scatter [tilespmem:s23], [sflag:$0x1], $0x80, $0x38;
	[tilespmem:$0x8400] =	vst v63  }
0x147: {  	s23 =	sadd.s32 $0x80, s30  }
0x148: {  	[hbm4b:s23+s4] =	stream.linear.scatter [tilespmem:s24], [sflag:$0x1], $0x80, $0x38;
	[tilespmem:$0x8400] =	vst v63  }
0x149: {  	s23 =	sor.u32 $0xC00, s22;
	s24 =	sadd.s32 $0x100, s30  }
0x14a: {  	[hbm4b:s24+s4] =	stream.linear.scatter [tilespmem:s23], [sflag:$0x1], $0x80, $0x38;
	[tilespmem:$0x8400] =	vst v63  }
0x14b: {  	s23 =	sor.u32 $0x1000, s22;
	s24 =	sadd.s32 $0x180, s30  }
0x14c: {  	[hbm4b:s24+s4] =	stream.linear.scatter [tilespmem:s23], [sflag:$0x1], $0x80, $0x38;
	[tilespmem:$0x8400] =	vst v63  }
0x14d: {  	s23 =	sor.u32 $0x1400, s22;
	s24 =	sadd.s32 $0x200, s30  }
0x14e: {  	[hbm4b:s24+s4] =	stream.linear.scatter [tilespmem:s23], [sflag:$0x1], $0x80, $0x38;
	[tilespmem:$0x8400] =	vst v63  }
0x14f: {  	s7 =	sadd.s32 $0x580, s30;
	s23 =	sor.u32 $0x1800, s22;
	s24 =	sadd.s32 $0x280, s30  }
0x150: {  	[hbm4b:s24+s4] =	stream.linear.scatter [tilespmem:s23], [sflag:$0x1], $0x80, $0x38;
	[tilespmem:$0x8400] =	vst v63  }
0x151: {  	s11 =	sadd.s32 $0x600, s30;
	s23 =	sor.u32 $0x1C00, s22;
	s24 =	sadd.s32 $0x300, s30  }
0x152: {  	[hbm4b:s24+s4] =	stream.linear.scatter [tilespmem:s23], [sflag:$0x1], $0x80, $0x38;
	[tilespmem:$0x8400] =	vst v63  }
0x153: {  	s21 =	sor.u32 $0x3800, s22;
	s23 =	sor.u32 $0x2000, s22;
	s24 =	sadd.s32 $0x380, s30  }
0x154: {  	[hbm4b:s24+s4] =	stream.linear.scatter [tilespmem:s23], [sflag:$0x1], $0x80, $0x38;
	[tilespmem:$0x8400] =	vst v63  }
0x155: {  	s23 =	sor.u32 $0x2400, s22;
	s24 =	sadd.s32 $0x400, s30;
	s12 =	sld [smem:s0+$0xFFFFFFFE]  }
0x156: {  	[hbm4b:s24+s4] =	stream.linear.scatter [tilespmem:s23], [sflag:$0x1], $0x80, $0x38;
	[tilespmem:$0x8400] =	vst v63  }
0x157: {  	s13 =	sadd.s32 $0x500, s30;
	s23 =	sor.u32 $0x2800, s22;
	s24 =	sadd.s32 $0x480, s30  }
0x158: {  	[hbm4b:s24+s4] =	stream.linear.scatter [tilespmem:s23], [sflag:$0x1], $0x80, $0x38;
	[tilespmem:$0x8400] =	vst v63  }
0x159: {  	s23 =	sor.u32 $0x2C00, s22;
	s24 =	sshll.u32 s12, $0xB;
	s12 =	sshll.u32 s12, $0x7  }
0x15a: {  	[hbm4b:s13+s4] =	stream.linear.scatter [tilespmem:s23], [sflag:$0x1], $0x80, $0x38;
	[tilespmem:$0x8400] =	vst v63  }
0x15b: {  	s12 =	sand.u32 $0x380, s12;
	s13 =	sor.u32 $0x3000, s22;
	s23 =	sand.u32 $0xFFFFC000, s24  }
0x15c: {  	[hbm4b:s7+s4] =	stream.linear.scatter [tilespmem:s13], [sflag:$0x1], $0x80, $0x38;
	[tilespmem:$0x8400] =	vst v63  }
0x15d: {  	s24 =	sadd.s32 $0xFFFFFFF0, s1;
	s7 =	sor.u32 $0x3400, s22;
	s13 =	sor.u32 $0x3C00, s22  }
0x15e: {  	[hbm4b:s11+s4] =	stream.linear.scatter [tilespmem:s7], [sflag:$0x1], $0x80, $0x38;
	[tilespmem:$0x8400] =	vst v63  }
0x15f: {  	s7 =	sadd.s32 $0x680, s30;
	s11 =	sadd.s32 $0x4000, s22;
	s22 =	sand.u32 $0x50, s24  }
0x160: {  	[hbm4b:s7+s4] =	stream.linear.scatter [tilespmem:s21], [sflag:$0x1], $0x80, $0x38;
	[tilespmem:$0x8400] =	vst v63  }
0x161: {  	s23 =	sor.u32 s12, s23;
	s7 =	sadd.s32 $0x700, s30;
	s21 =	sadd.s32 s2, s22  }
0x162: {  	[hbm4b:s7+s4] =	stream.linear.scatter [tilespmem:s13], [sflag:$0x1], $0x80, $0x38;
	[tilespmem:$0x8400] =	vst v63  }
0x163: {  	s12 =	sor.u32 $0x400, s23;
	s22 =	sadd.s32 s16, s21;
	s7 =	sadd.s32 $0x780, s30  }
0x164: {  	[hbm4b:s7+s4] =	stream.linear.scatter [tilespmem:s11], [sflag:$0x1], $0x80, $0x38;
	[tilespmem:$0x8400] =	vst v63  }
0x165: {  	s7 =	sor.u32 $0x800, s23;
	s11 =	sadd.s32 $0x80, s22  }
0x166: {  	[hbm4b:s22+s4] =	stream.linear.scatter [tilespmem:s12], [sflag:$0x1], $0x80, $0x38;
	[tilespmem:$0x8400] =	vst v63  }
0x167: {  	s12 =	sor.u32 $0xC00, s23  }
0x168: {  	[hbm4b:s11+s4] =	stream.linear.scatter [tilespmem:s7], [sflag:$0x1], $0x80, $0x38;
	[tilespmem:$0x8400] =	vst v63  }
0x169: {  	s7 =	sadd.s32 $0x100, s22;
	s11 =	sor.u32 $0x1000, s23  }
0x16a: {  	[hbm4b:s7+s4] =	stream.linear.scatter [tilespmem:s12], [sflag:$0x1], $0x80, $0x38;
	[tilespmem:$0x8400] =	vst v63  }
0x16b: {  	s7 =	sadd.s32 $0x180, s22;
	s12 =	sor.u32 $0x1400, s23  }
0x16c: {  	[hbm4b:s7+s4] =	stream.linear.scatter [tilespmem:s11], [sflag:$0x1], $0x80, $0x38;
	[tilespmem:$0x8400] =	vst v63  }
0x16d: {  	s7 =	sadd.s32 $0x200, s22;
	s11 =	sor.u32 $0x1800, s23  }
0x16e: {  	[hbm4b:s7+s4] =	stream.linear.scatter [tilespmem:s12], [sflag:$0x1], $0x80, $0x38;
	[tilespmem:$0x8400] =	vst v63  }
0x16f: {  	s7 =	sadd.s32 $0x280, s22;
	s12 =	sor.u32 $0x1C00, s23  }
0x170: {  	[hbm4b:s7+s4] =	stream.linear.scatter [tilespmem:s11], [sflag:$0x1], $0x80, $0x38;
	[tilespmem:$0x8400] =	vst v63  }
0x171: {  	s7 =	sadd.s32 $0x300, s22;
	s11 =	sor.u32 $0x2000, s23  }
0x172: {  	[hbm4b:s7+s4] =	stream.linear.scatter [tilespmem:s12], [sflag:$0x1], $0x80, $0x38;
	[tilespmem:$0x8400] =	vst v63  }
0x173: {  	s7 =	sadd.s32 $0x380, s22;
	s12 =	sor.u32 $0x2400, s23  }
0x174: {  	[hbm4b:s7+s4] =	stream.linear.scatter [tilespmem:s11], [sflag:$0x1], $0x80, $0x38;
	[tilespmem:$0x8400] =	vst v63  }
0x175: {  	s7 =	sadd.s32 $0x400, s22;
	s11 =	sor.u32 $0x2800, s23  }
0x176: {  	[hbm4b:s7+s4] =	stream.linear.scatter [tilespmem:s12], [sflag:$0x1], $0x80, $0x38;
	[tilespmem:$0x8400] =	vst v63  }
0x177: {  	s7 =	sadd.s32 $0x480, s22;
	s12 =	sor.u32 $0x2C00, s23  }
0x178: {  	[hbm4b:s7+s4] =	stream.linear.scatter [tilespmem:s11], [sflag:$0x1], $0x80, $0x38;
	[tilespmem:$0x8400] =	vst v63  }
0x179: {  	s7 =	sadd.s32 $0x500, s22;
	s11 =	sor.u32 $0x3000, s23  }
0x17a: {  	[hbm4b:s7+s4] =	stream.linear.scatter [tilespmem:s12], [sflag:$0x1], $0x80, $0x38;
	[tilespmem:$0x8400] =	vst v63  }
0x17b: {  	s7 =	sadd.s32 $0x580, s22;
	s12 =	sor.u32 $0x3400, s23  }
0x17c: {  	[hbm4b:s7+s4] =	stream.linear.scatter [tilespmem:s11], [sflag:$0x1], $0x80, $0x38;
	[tilespmem:$0x8400] =	vst v63  }
0x17d: {  	s7 =	sadd.s32 $0x600, s22;
	s11 =	sor.u32 $0x3800, s23;
	s13 =	sld [smem:s0+$0xFFFFFFFF]  }
0x17e: {  	[hbm4b:s7+s4] =	stream.linear.scatter [tilespmem:s12], [sflag:$0x1], $0x80, $0x38;
	[tilespmem:$0x8400] =	vst v63  }
0x17f: {  	s7 =	sadd.s32 $0x680, s22;
	s12 =	sor.u32 $0x3C00, s23  }
0x180: {  	[hbm4b:s7+s4] =	stream.linear.scatter [tilespmem:s11], [sflag:$0x1], $0x80, $0x38;
	[tilespmem:$0x8400] =	vst v63  }
0x181: {  	s1 =	sand.u32 $0x60, s1;
	s7 =	sshll.u32 s13, $0x7  }
0x182: {  	s21 =	sadd.s32 $0x4000, s23;
	s11 =	sadd.s32 $0x700, s22;
	s13 =	sshll.u32 s13, $0xB  }
0x183: {  	[hbm4b:s11+s4] =	stream.linear.scatter [tilespmem:s12], [sflag:$0x1], $0x80, $0x38;
	[tilespmem:$0x8400] =	vst v63  }
0x184: {  	s7 =	sand.u32 $0x380, s7;
	s11 =	sadd.s32 $0x780, s22;
	s12 =	sand.u32 $0xFFFFC000, s13  }
0x185: {  	[hbm4b:s11+s4] =	stream.linear.scatter [tilespmem:s21], [sflag:$0x1], $0x80, $0x38;
	[tilespmem:$0x8400] =	vst v63  }
0x186: {  	s11 =	sadd.s32 s2, s1;
	s1 =	sor.u32 s7, s12  }
0x187: {  	s22 =	sadd.s32 s16, s11;
	s7 =	sor.u32 $0x400, s1  }
0x188: {  	[hbm4b:s22+s4] =	stream.linear.scatter [tilespmem:s7], [sflag:$0x1], $0x80, $0x38;
	[tilespmem:$0x8400] =	vst v63  }
0x189: {  	s11 =	sadd.s32 $0x80, s22;
	s7 =	sor.u32 $0x800, s1  }
0x18a: {  	[hbm4b:s11+s4] =	stream.linear.scatter [tilespmem:s7], [sflag:$0x1], $0x80, $0x38;
	[tilespmem:$0x8400] =	vst v63  }
0x18b: {  	s7 =	sor.u32 $0xC00, s1;
	s11 =	sadd.s32 $0x100, s22  }
0x18c: {  	[hbm4b:s11+s4] =	stream.linear.scatter [tilespmem:s7], [sflag:$0x1], $0x80, $0x38;
	[tilespmem:$0x8400] =	vst v63  }
0x18d: {  	s7 =	sor.u32 $0x1000, s1;
	s11 =	sadd.s32 $0x180, s22  }
0x18e: {  	[hbm4b:s11+s4] =	stream.linear.scatter [tilespmem:s7], [sflag:$0x1], $0x80, $0x38;
	[tilespmem:$0x8400] =	vst v63  }
0x18f: {  	s7 =	sor.u32 $0x1400, s1;
	s11 =	sadd.s32 $0x200, s22  }
0x190: {  	[hbm4b:s11+s4] =	stream.linear.scatter [tilespmem:s7], [sflag:$0x1], $0x80, $0x38;
	[tilespmem:$0x8400] =	vst v63  }
0x191: {  	s7 =	sor.u32 $0x1800, s1;
	s11 =	sadd.s32 $0x280, s22  }
0x192: {  	[hbm4b:s11+s4] =	stream.linear.scatter [tilespmem:s7], [sflag:$0x1], $0x80, $0x38;
	[tilespmem:$0x8400] =	vst v63  }
0x193: {  	s7 =	sor.u32 $0x1C00, s1;
	s11 =	sadd.s32 $0x300, s22  }
0x194: {  	[hbm4b:s11+s4] =	stream.linear.scatter [tilespmem:s7], [sflag:$0x1], $0x80, $0x38;
	[tilespmem:$0x8400] =	vst v63  }
0x195: {  	s7 =	sor.u32 $0x2000, s1;
	s11 =	sadd.s32 $0x380, s22  }
0x196: {  	[hbm4b:s11+s4] =	stream.linear.scatter [tilespmem:s7], [sflag:$0x1], $0x80, $0x38;
	[tilespmem:$0x8400] =	vst v63  }
0x197: {  	s7 =	sor.u32 $0x2400, s1;
	s11 =	sadd.s32 $0x400, s22;
	s12 =	sld [smem:s0+$0x0]  }
0x198: {  	[hbm4b:s11+s4] =	stream.linear.scatter [tilespmem:s7], [sflag:$0x1], $0x80, $0x38;
	[tilespmem:$0x8400] =	vst v63  }
0x199: {  	s13 =	sadd.s32 $0x580, s22;
	s7 =	sor.u32 $0x2800, s1;
	s11 =	sadd.s32 $0x480, s22  }
0x19a: {  	[hbm4b:s11+s4] =	stream.linear.scatter [tilespmem:s7], [sflag:$0x1], $0x80, $0x38;
	[tilespmem:$0x8400] =	vst v63  }
0x19b: {  	s7 =	sor.u32 $0x2C00, s1;
	s11 =	sadd.s32 $0x500, s22;
	s16 =	sshll.u32 s12, $0xB  }
0x19c: {  	[hbm4b:s11+s4] =	stream.linear.scatter [tilespmem:s7], [sflag:$0x1], $0x80, $0x38;
	[tilespmem:$0x8400] =	vst v63  }
0x19d: {  	s12 =	sshll.u32 s12, $0x7;
	s7 =	sor.u32 $0x3000, s1;
	s11 =	sand.u32 $0xFFFFC000, s16  }
0x19e: {  	[hbm4b:s13+s4] =	stream.linear.scatter [tilespmem:s7], [sflag:$0x1], $0x80, $0x38;
	[tilespmem:$0x8400] =	vst v63  }
0x19f: {  	s12 =	sand.u32 $0x380, s12;
	s7 =	sor.u32 $0x3400, s1;
	s13 =	sadd.s32 $0x600, s22  }
0x1a0: {  	[hbm4b:s13+s4] =	stream.linear.scatter [tilespmem:s7], [sflag:$0x1], $0x80, $0x38;
	[tilespmem:$0x8400] =	vst v63  }
0x1a1: {  	s16 =	sor.u32 s12, s11;
	s7 =	sor.u32 $0x3800, s1;
	s13 =	sadd.s32 $0x680, s22  }
0x1a2: {  	[hbm4b:s13+s4] =	stream.linear.scatter [tilespmem:s7], [sflag:$0x1], $0x80, $0x38;
	[tilespmem:$0x8400] =	vst v63  }
0x1a3: {  	s11 =	sadd.s32 $0x700, s22;
	s7 =	sor.u32 $0x3C00, s1  }
0x1a4: {  	[hbm4b:s11+s4] =	stream.linear.scatter [tilespmem:s7], [sflag:$0x1], $0x80, $0x38;
	[tilespmem:$0x8400] =	vst v63  }
0x1a5: {  	s1 =	sadd.s32 $0x4000, s1;
	s7 =	sadd.s32 $0x780, s22  }
0x1a6: {  	[hbm4b:s7+s4] =	stream.linear.scatter [tilespmem:s1], [sflag:$0x1], $0x80, $0x38;
	[tilespmem:$0x8400] =	vst v63  }
0x1a7: {  	s1 =	sadd.s32 $0x30, s30;
	s7 =	sor.u32 $0x400, s16  }
0x1a8: {  	[hbm4b:s1+s4] =	stream.linear.scatter [tilespmem:s7], [sflag:$0x1], $0x80, $0x38;
	[tilespmem:$0x8400] =	vst v63  }
0x1a9: {  	s1 =	sor.u32 $0x800, s16;
	s7 =	sadd.s32 $0xB0, s30  }
0x1aa: {  	[hbm4b:s7+s4] =	stream.linear.scatter [tilespmem:s1], [sflag:$0x1], $0x80, $0x38;
	[tilespmem:$0x8400] =	vst v63  }
0x1ab: {  	s1 =	sor.u32 $0xC00, s16;
	s7 =	sadd.s32 $0x130, s30  }
0x1ac: {  	[hbm4b:s7+s4] =	stream.linear.scatter [tilespmem:s1], [sflag:$0x1], $0x80, $0x38;
	[tilespmem:$0x8400] =	vst v63  }
0x1ad: {  	s1 =	sor.u32 $0x1000, s16;
	s7 =	sadd.s32 $0x1B0, s30  }
0x1ae: {  	[hbm4b:s7+s4] =	stream.linear.scatter [tilespmem:s1], [sflag:$0x1], $0x80, $0x38;
	[tilespmem:$0x8400] =	vst v63  }
0x1af: {  	s1 =	sor.u32 $0x1400, s16;
	s7 =	sadd.s32 $0x230, s30  }
0x1b0: {  	[hbm4b:s7+s4] =	stream.linear.scatter [tilespmem:s1], [sflag:$0x1], $0x80, $0x38;
	[tilespmem:$0x8400] =	vst v63  }
0x1b1: {  	s1 =	sor.u32 $0x1800, s16;
	s7 =	sadd.s32 $0x2B0, s30  }
0x1b2: {  	[hbm4b:s7+s4] =	stream.linear.scatter [tilespmem:s1], [sflag:$0x1], $0x80, $0x38;
	[tilespmem:$0x8400] =	vst v63  }
0x1b3: {  	s1 =	sor.u32 $0x1C00, s16;
	s7 =	sadd.s32 $0x330, s30  }
0x1b4: {  	[hbm4b:s7+s4] =	stream.linear.scatter [tilespmem:s1], [sflag:$0x1], $0x80, $0x38;
	[tilespmem:$0x8400] =	vst v63  }
0x1b5: {  	s1 =	sor.u32 $0x2000, s16;
	s7 =	sadd.s32 $0x3B0, s30  }
0x1b6: {  	[hbm4b:s7+s4] =	stream.linear.scatter [tilespmem:s1], [sflag:$0x1], $0x80, $0x38;
	[tilespmem:$0x8400] =	vst v63  }
.Ltmp0:
0x1b7: {  	s1 =	sor.u32 $0x2400, s16;
	s7 =	sadd.s32 $0x430, s30;
	(pc) =	sbr.rel @p0 .LBB2_2-.Ltmp0, $4  }
0x1b8: {  	[hbm4b:s7+s4] =	stream.linear.scatter [tilespmem:s1], [sflag:$0x1], $0x80, $0x38;
	[tilespmem:$0x8400] =	vst v63  }
0x1b9: {  	s0 =	sadd.s32 $0x4, s0;
	s1 =	sor.u32 $0x2800, s16;
	s7 =	sadd.s32 $0x4B0, s30  }
0x1ba: {  	[hbm4b:s7+s4] =	stream.linear.scatter [tilespmem:s1], [sflag:$0x1], $0x80, $0x38;
	[tilespmem:$0x8400] =	vst v63  }
0x1bb: {  	s3 =	sadd.s32 $0x400, s3;
	s22 =	sadd.s32 $0x530, s30;
	s1 =	sor.u32 $0x2C00, s16  }
0x1bc: {  	[hbm4b:s22+s4] =	stream.linear.scatter [tilespmem:s1], [sflag:$0x1], $0x80, $0x38;
	[tilespmem:$0x8400] =	vst v63  }
0x1bd: {  	s0 =	sor.u32 $0x3000, s16;
	s7 =	sadd.s32 $0x5B0, s30  }
0x1be: {  	[hbm4b:s7+s4] =	stream.linear.scatter [tilespmem:s0], [sflag:$0x1], $0x80, $0x38;
	[tilespmem:$0x8400] =	vst v63  }
0x1bf: {  	s11 =	sor.u32 $0x3400, s16;
	s12 =	sadd.s32 $0x630, s30  }
0x1c0: {  	[hbm4b:s12+s4] =	stream.linear.scatter [tilespmem:s11], [sflag:$0x1], $0x80, $0x38;
	[tilespmem:$0x8400] =	vst v63  }
0x1c1: {  	s13 =	sor.u32 $0x3800, s16;
	s21 =	sadd.s32 $0x6B0, s30  }
0x1c2: {  	[hbm4b:s21+s4] =	stream.linear.scatter [tilespmem:s13], [sflag:$0x1], $0x80, $0x38;
	[tilespmem:$0x8400] =	vst v63  }
0x1c3: {  	s22 =	sor.u32 $0x3C00, s16;
	s23 =	sadd.s32 $0x730, s30  }
0x1c4: {  	[hbm4b:s23+s4] =	stream.linear.scatter [tilespmem:s22], [sflag:$0x1], $0x80, $0x38;
	[tilespmem:$0x8400] =	vst v63  }
0x1c5: {  	s24 =	sadd.s32 $0x4000, s16;
	s30 =	sadd.s32 $0x7B0, s30  }
0x1c6: {  	[hbm4b:s30+s4] =	stream.linear.scatter [tilespmem:s24], [sflag:$0x1], $0x80, $0x38;
	[tilespmem:$0x8400] =	vst v63  }
0x1c7: {  	_ =	swait.ge [sflag:s20], $0x100  }
0x1c8: {  	[sflag:s20] =	ssyncset.done $0x0  }
0x1c9: {  	[sflag:s20] =	ssyncadd.s32 $0xFFFFFF00  }
0x1ca: {  	_ =	swait.ge [sflag:s20], $0x100  }
0x1cb: {  	[sflag:s20] =	ssyncset.done $0x0  }
0x1cc: {  	[sflag:s20] =	ssyncadd.s32 $0xFFFFFF00  }
0x1cd: {  	_ =	swait.ge [sflag:s20], $0x100  }
0x1ce: {  	[sflag:s20] =	ssyncset.done $0x0  }
0x1cf: {  	[sflag:s20] =	ssyncadd.s32 $0xFFFFFF00  }
0x1d0: {  	_ =	swait.ge [sflag:s20], $0x100  }
0x1d1: {  	[sflag:s20] =	ssyncset.done $0x0  }
0x1d2: {  	[sflag:s20] =	ssyncadd.s32 $0xFFFFFF00  }
0x1d3: {  	_ =	swait.ge [sflag:s20], $0x100  }
0x1d4: {  	[sflag:s20] =	ssyncset.done $0x0  }
0x1d5: {  	[sflag:s20] =	ssyncadd.s32 $0xFFFFFF00  }
0x1d6: {  	_ =	swait.ge [sflag:s20], $0x100  }
0x1d7: {  	[sflag:s20] =	ssyncset.done $0x0  }
0x1d8: {  	[sflag:s20] =	ssyncadd.s32 $0xFFFFFF00  }
0x1d9: {  	_ =	swait.ge [sflag:s20], $0x100  }
0x1da: {  	[sflag:s20] =	ssyncset.done $0x0  }
0x1db: {  	[sflag:s20] =	ssyncadd.s32 $0xFFFFFF00  }
0x1dc: {  	_ =	swait.ge [sflag:s20], $0x100  }
0x1dd: {  	s29 =	sadd.s32 $0x1, s29;
	s31 =	rddreg [dreg:$0x6]  }
0x1de: {  	p0 =	sne.s32 s29, s31  }
.Ltmp1:
0x1df: {  	_ = 	snop;
	(pc) =	sbr.rel @p0 .LBB2_1-.Ltmp1, $3  }
0x1e0: {  	_ =	sdelay $0x1  }
0x1e1: {  	[sflag:s20] =	ssyncset.done $0x0  }
0x1e2: {  	[sflag:s20] =	ssyncadd.s32 $0xFFFFFF00  }
0x1e3: {  	_ =	sfence.sel $0x180000  }
0x1e4: {  	[bflag:$0x0] =	sbarrier.arrive $0xFFFF  }
0x1e5: {  	_ =	strace $0x90000047  }
0x1e6: {  	s0 =	stileid.u32;
	[bflag:$0x2] =	sbarrier.arrive $0xFFFF  }
0x1e7: {  	p0 =	sne.s32 s0, $0x0;
	s0 =	rddreg [dreg:$0x4]  }
0x1e8: {  	s0 =	sadd.s32 @!p0 $0x100000, s0  }
0x1e9: {  	[sflag:s0] =	ssyncadd.tile.s32 @!p0 $0x1;
	_ =	shalt  }
.Lfunc_end2:
_tile_overlayer_lowered:
.L_overlay_start_2:
0x1ea: {  	(tag) =	ssettag $0x2  }
0x1eb: {  	s0 =	rddreg [dreg:$0x0];
	s2 =	stileid.u32  }
0x1ec: {  	s1 =	rddreg [dreg:$0x1];
	p0 =	sne.s32 s2, $0x0  }
0x1ed: {  	s3 =	rddreg [dreg:$0x2];
	[bflag:$0x3] =	sbarrier.arrive $0xFFFF;
	s2 =	simm.s32 @!p0 $0x1C02  }
0x1ee: {  	[timem:s3], [sflag:s2] =	dma.local @!p0 [hbm:s0], s1  }
0x1ef: {  	s0 =	simm.s32 @!p0 $0x2  }
0x1f0: {  	_ =	swait.ge @!p0 [sflag:s0], s1  }
0x1f1: {  	s1 =	ssub.s32 @!p0 $0x0, s1;
	[sflag:s0] =	ssyncset.done @!p0 $0x0  }
0x1f2: {  	[sflag:s0] =	ssyncadd.s32 @!p0 s1  }
0x1f3: {  	[bflag:$0x3] =	sbarrier.arrive $0xFFFF  }
0x1f4: {  	_ =	shalt  }

</sc_bundles>
